<compile_context>
chip_gen: v7x
topology: tpu7x:2x2x1
jax: 0.10.2.dev20260603
libtpu: 0.0.44.dev20260713+nightly
codegen_flags: <defaults>
</compile_context>

<pallas_src>
import functools

import jax
import jax.numpy as jnp
from jax import lax
from jax.experimental import pallas as pl
from jax.experimental.pallas import tpu as pltpu
from jax.experimental.pallas import tpu_sc as plsc

NC = 2
NS = 16
L = 16

CLS = 20
L_COORD = 5.0
L_NOOBJ = 0.5


@functools.lru_cache(maxsize=None)
def _build_sc_loss(batch: int, s1: int, s2: int):
    assert batch % (16 * L) == 0 and s1 == 7 and s2 == 7
    rows = 4
    mesh = plsc.VectorSubcoreMesh(core_axis_name="c", subcore_axis_name="s",
                                  num_cores=NC, num_subcores=NS)

    def body(cls_hbm, resp_hbm, pb_hbm, lb_hbm, out_hbm,
             pc_v, lc_v, pr_v, lr_v, pb_v, lb_v, part_v, sem1, sem2):
        cid = lax.axis_index("c")
        sid = lax.axis_index("s")
        wid = sid * NC + cid
        bg = lax.rem(wid, 16)
        half = lax.div(wid, 16)
        b0 = bg * L
        bt = lax.div(bg, 8)
        lo = lax.rem(bg, 8) * L
        r0 = half * 3
        lanes = lax.iota(jnp.int32, L)
        zero = jnp.zeros((L,), jnp.float32)

        c_lr = pltpu.async_copy(
            resp_hbm.at[1, pl.ds(r0, rows), :, bt, :, pl.ds(lo, L)], lr_v, sem1)
        c_pr = pltpu.async_copy(
            resp_hbm.at[0, pl.ds(r0, rows), :, bt, :, pl.ds(lo, L)], pr_v, sem1)
        c_pb = pltpu.async_copy(
            pb_hbm.at[pl.ds(r0, rows), :, bt, :, pl.ds(lo, L)], pb_v, sem1)
        c_lb = pltpu.async_copy(
            lb_hbm.at[pl.ds(r0, rows), :, bt, :, pl.ds(lo, L)], lb_v, sem1)
        c_pc = pltpu.async_copy(
            cls_hbm.at[0, pl.ds(r0, rows), :, :, pl.ds(b0, L)], pc_v, sem2)
        c_lc = pltpu.async_copy(
            cls_hbm.at[1, pl.ds(r0, rows), :, :, pl.ds(b0, L)], lc_v, sem2)
        c_lr.wait()
        c_pr.wait()
        c_pb.wait()
        c_lb.wait()

        is_h1 = half > 0
        ncols = rows * s2

        def col_mask(r, c2):
            on_edge = jnp.where(is_h1, r == 0, r == rows - 1)
            own = jnp.where(is_h1, c2 >= 4, c2 < 4)
            w = jnp.where(on_edge & ~own, 0.0, 1.0)
            lr0 = lr_v[r, c2, 0, :]
            return jnp.where(lr0 > 0.0, w, 0.0), w

        def column_iou(j, accs):
            noobj_a, loc_a, pobj_a, iou_a = accs
            r = lax.div(j, s2)
            c2 = lax.rem(j, s2)
            m, w = col_mask(r, c2)
            obj = m > 0.0
            lr0 = lr_v[r, c2, 0, :]
            lr1 = lr_v[r, c2, 1, :]
            pr0 = pr_v[r, c2, 0, :]
            pr1 = pr_v[r, c2, 1, :]

            def corners(ref, k0):
                x = ref[r, c2, k0, :]
                y = ref[r, c2, k0 + 1, :]
                bw = ref[r, c2, k0 + 2, :]
                bh = ref[r, c2, k0 + 3, :]
                hw = 0.5 * (bw * bw)
                hh = 0.5 * (bh * bh)
                return x - hw, y - hh, x + hw, y + hh

            def iou_for(k0):
                tx1, ty1, tx2, ty2 = corners(lb_v, k0)
                px1, py1, px2, py2 = corners(pb_v, k0)
                ltx = jnp.maximum(tx1, px1)
                lty = jnp.maximum(ty1, py1)
                rbx = jnp.minimum(tx2, px2)
                rby = jnp.minimum(ty2, py2)
                wx = jnp.maximum(rbx - ltx, 0.0)
                wy = jnp.maximum(rby - lty, 0.0)
                inter = wx * wy
                a1 = (tx2 - tx1) * (ty2 - ty1)
                a2 = (px2 - px1) * (py2 - py1)
                return jnp.where(obj, inter / (a1 + a2 - inter), 0.0)

            iou0 = iou_for(0)
            iou1 = iou_for(4)
            maxiou = jnp.maximum(iou0, iou1)
            sel1 = iou1 > iou0

            def sel(a0, a1):
                return jnp.where(sel1, a1, a0)

            loc_t = zero
            for k in range(4):
                dk = (sel(pb_v[r, c2, k, :], pb_v[r, c2, 4 + k, :])
                      - sel(lb_v[r, c2, k, :], lb_v[r, c2, 4 + k, :]))
                loc_t = loc_t + dk * dk
            loc_a = loc_a + m * loc_t
            dpo = sel(pr0, pr1) - maxiou
            dio = maxiou - sel(lr0, lr1)
            pobj_a = pobj_a + m * (dpo * dpo)
            iou_a = iou_a + m * (dio * dio)
            nm = w - m
            d0 = pr0 - lr0
            d1 = pr1 - lr1
            noobj_a = noobj_a + nm * (d0 * d0 + d1 * d1)
            return noobj_a, loc_a, pobj_a, iou_a

        accs = lax.fori_loop(0, ncols, column_iou, (zero, zero, zero, zero))
        noobj_a, loc_a, pobj_a, iou_a = accs

        c_pc.wait()
        c_lc.wait()

        def column_cls(j, cls_a):
            r = lax.div(j, s2)
            c2 = lax.rem(j, s2)
            m, _ = col_mask(r, c2)
            csum = zero
            for c in range(CLS):
                d = pc_v[r, c, c2, :] - lc_v[r, c, c2, :]
                csum = csum + d * d
            return cls_a + m * csum

        cls_a = lax.fori_loop(0, ncols, column_cls, zero)

        inv = 1.0 / batch
        s_off = (L_COORD * inv) * jnp.sum(loc_a)
        s_cls = inv * jnp.sum(cls_a)
        s_pobj = inv * jnp.sum(pobj_a)
        s_nobj = (L_NOOBJ * inv) * jnp.sum(noobj_a)
        s_iou = inv * jnp.sum(iou_a)
        res = (jnp.where(lanes == 0, s_off, 0.0)
               + jnp.where(lanes == 1, s_cls, 0.0)
               + jnp.where(lanes == 2, s_pobj, 0.0)
               + jnp.where(lanes == 3, s_nobj, 0.0)
               + jnp.where(lanes == 4, s_iou, 0.0))
        part_v[...] = res
        pltpu.sync_copy(part_v, out_hbm.at[wid])

    return pl.kernel(
        body,
        out_type=jax.ShapeDtypeStruct((NC * NS, L), jnp.float32),
        mesh=mesh,
        scratch_types=[
            pltpu.VMEM((rows, CLS, s2, L), jnp.float32),
            pltpu.VMEM((rows, CLS, s2, L), jnp.float32),
            pltpu.VMEM((rows, s2, 2, L), jnp.float32),
            pltpu.VMEM((rows, s2, 2, L), jnp.float32),
            pltpu.VMEM((rows, s2, 8, L), jnp.float32),
            pltpu.VMEM((rows, s2, 8, L), jnp.float32),
            pltpu.VMEM((L,), jnp.float32),
            pltpu.SemaphoreType.DMA,
            pltpu.SemaphoreType.DMA,
        ],
        compiler_params=pltpu.CompilerParams(needs_layout_passes=False,
                                             use_tc_tiling_on_sc=False),
    )


def _resp_view(x):
    k = x.shape[-1]
    return jnp.transpose(x.reshape(2, 128, 7, 7, k), (2, 3, 0, 4, 1))


def kernel(pred_cls, pred_response, pred_bboxes, label_cls, label_response,
           label_bboxes):
    batch, s1, s2 = pred_cls.shape[0], pred_cls.shape[1], pred_cls.shape[2]
    fn = _build_sc_loss(batch, s1, s2)
    cls_st = jnp.stack([jnp.transpose(pred_cls, (1, 3, 2, 0)),
                        jnp.transpose(label_cls, (1, 3, 2, 0))])
    resp_st = jnp.stack([_resp_view(pred_response),
                         _resp_view(label_response)])
    out = fn(cls_st, resp_st, _resp_view(pred_bboxes),
             _resp_view(label_bboxes))
    s = jnp.sum(out, axis=0)
    return {"offset": s[0], "cls": s[1], "pObj": s[2], "nObj": s[3],
            "iou": s[4]}

# --- scband reference (transcript-rebuilt; emitter-appended) ---
"""Pipeline reference for scband-yolov1-loss-30279519437582 (READ-ONLY COPY).

The authoritative reference and input builder live on the scoring server;
editing this copy changes nothing except your own understanding.
"""

import jax, jax.numpy as jnp
import numpy as np

B_BOX = 2
CLS = 20
L_COORD = 5.0
L_NOOBJ = 0.5


def setup_inputs(seed: int = 0) -> dict:
    key = jax.random.key(seed)
    ks = jax.random.split(key, 6)
    bs, S = 256, 7
    pred_cls = jax.random.uniform(ks[0], (bs, S, S, CLS), dtype=jnp.float32)
    pred_response = jax.random.uniform(ks[1], (bs, S, S, B_BOX), dtype=jnp.float32)
    pred_bboxes = jax.random.uniform(ks[2], (bs, S, S, B_BOX * 4), dtype=jnp.float32)
    label_cls = jax.random.uniform(ks[3], (bs, S, S, CLS), dtype=jnp.float32)
    label_response = jax.random.randint(ks[4], (bs, S, S, B_BOX), 0, 2).astype(jnp.float32)
    label_bboxes = jax.random.uniform(ks[5], (bs, S, S, B_BOX * 4), dtype=jnp.float32)
    return {"pred_cls": pred_cls, "pred_response": pred_response, "pred_bboxes": pred_bboxes,
            "label_cls": label_cls, "label_response": label_response, "label_bboxes": label_bboxes}


def _to_corners(b):
    x = b[..., 0]
    y = b[..., 1]
    hw = 0.5 * b[..., 2] ** 2
    hh = 0.5 * b[..., 3] ** 2
    return jnp.stack([x - hw, y - hh, x + hw, y + hh], axis=-1)


def _core(pred_cls, pred_response, pred_bboxes, label_cls, label_response, label_bboxes, obj_mask, noobj_mask):
    batch = pred_response.shape[0]
    Bb = pred_response.shape[-1]
    C = pred_cls.shape[-1]
    pr = pred_response.reshape(-1, Bb)
    lr = label_response.reshape(-1, Bb)
    pc = pred_cls.reshape(-1, C)
    lc = label_cls.reshape(-1, C)
    pb = pred_bboxes.reshape(-1, Bb * 4)
    lb = label_bboxes.reshape(-1, Bb * 4)
    obj_bool = obj_mask > 0
    no_obj_sq = noobj_mask[:, None] * (pr - lr) ** 2
    obj_contain_pred = pr
    obj_contain_target = lr
    obj_class_sq = obj_mask[:, None] * (pc - lc) ** 2
    p = pb.reshape(-1, Bb, 4)
    t = lb.reshape(-1, Bb, 4)
    tb = _to_corners(t)
    pbx = _to_corners(p)
    lt = jnp.maximum(tb[..., :2], pbx[..., :2])
    rb = jnp.minimum(tb[..., 2:], pbx[..., 2:])
    wh = jnp.maximum(rb - lt, 0.0)
    inter = wh[..., 0] * wh[..., 1]
    area1 = (tb[..., 2] - tb[..., 0]) * (tb[..., 3] - tb[..., 1])
    area2 = (pbx[..., 2] - pbx[..., 0]) * (pbx[..., 3] - pbx[..., 1])
    iou = jnp.where(obj_bool[:, None], inter / (area1 + area2 - inter), 0.0)
    max_iou = jnp.max(iou, axis=1)
    max_idx = jnp.argmax(iou, axis=1)
    n = p.shape[0]
    idx4 = jnp.broadcast_to(max_idx[:, None, None], (n, 1, 4))
    obj_axis_pred = jnp.take_along_axis(p, idx4, axis=1)[:, 0, :]
    obj_axis_target = jnp.take_along_axis(t, idx4, axis=1)[:, 0, :]
    obj_response_pred = jnp.take_along_axis(obj_contain_pred, max_idx[:, None], axis=1)[:, 0]
    obj_response_target = jnp.take_along_axis(obj_contain_target, max_idx[:, None], axis=1)[:, 0]
    max_iou_d = jax.lax.stop_gradient(max_iou)
    obj_local = jnp.sum(obj_mask[:, None] * (obj_axis_pred[:, 0:2] - obj_axis_target[:, 0:2]) ** 2) + jnp.sum(obj_mask[:, None] * (obj_axis_pred[:, 2:4] - obj_axis_target[:, 2:4]) ** 2)
    obj_local = obj_local / batch
    obj_class_loss = jnp.sum(obj_class_sq) / batch
    obj_contain_loss = jnp.sum(obj_mask * (obj_response_pred - max_iou_d) ** 2) / batch
    no_obj_loss = jnp.sum(no_obj_sq) / batch
    iou_loss = jnp.sum(obj_mask * (max_iou_d - obj_response_target) ** 2) / batch
    return (L_COORD * obj_local, obj_class_loss, obj_contain_loss, L_NOOBJ * no_obj_loss, iou_loss)


def reference(pred_cls, pred_response, pred_bboxes, label_cls, label_response, label_bboxes):
    obj_cell = (label_response[..., 0] > 0).reshape(-1)
    obj_mask = obj_cell.astype(jnp.float32)
    noobj_mask = 1.0 - obj_mask
    offset, cls_l, pobj, nobj, iou_l = _core(pred_cls, pred_response, pred_bboxes,
                                             label_cls, label_response, label_bboxes,
                                             obj_mask, noobj_mask)
    return {"offset": offset, "cls": cls_l, "pObj": pobj, "nObj": nobj, "iou": iou_l}

if __name__ == "__main__":
    import jax
    _d = setup_inputs()
    print(jax.jit(kernel)(*tuple(_d.values())))

</pallas_src>

<mosaic_0001>
#map = affine_map<(d0, d1) -> (0, 0, 0, 0, 0)>
#map1 = affine_map<(d0, d1) -> (0, 0, 0, 0, 0, 0)>
#map2 = affine_map<(d0, d1) -> (0, 0)>
module attributes {stable_mosaic.version = 14 : i64} {
  func.func @body(%arg0: i32, %arg1: i32, %arg2: memref<2x7x20x7x256xf32, #tpu.memory_space<hbm>>, %arg3: memref<2x7x7x2x2x128xf32, #tpu.memory_space<hbm>>, %arg4: memref<7x7x2x8x128xf32, #tpu.memory_space<hbm>>, %arg5: memref<7x7x2x8x128xf32, #tpu.memory_space<hbm>>, %arg6: memref<32x16xf32, #tpu.memory_space<hbm>>, %arg7: memref<4x20x7x16xf32, #tpu.memory_space<vmem>>, %arg8: memref<4x20x7x16xf32, #tpu.memory_space<vmem>>, %arg9: memref<4x7x2x16xf32, #tpu.memory_space<vmem>>, %arg10: memref<4x7x2x16xf32, #tpu.memory_space<vmem>>, %arg11: memref<4x7x8x16xf32, #tpu.memory_space<vmem>>, %arg12: memref<4x7x8x16xf32, #tpu.memory_space<vmem>>, %arg13: memref<16xf32, #tpu.memory_space<vmem>>, %arg14: memref<!tpu.dma_semaphore, #tpu.memory_space<semaphore_mem>>, %arg15: memref<!tpu.dma_semaphore, #tpu.memory_space<semaphore_mem>>) attributes {dimension_semantics = [#tpu.dimension_semantics<core_parallel>, #tpu.dimension_semantics<subcore_parallel>], iteration_bounds = array<i64: 2, 16>, scalar_prefetch = 0 : i64, scratch_operands = 9 : i64, tpu.core_type = #tpu.core_type<sc_vector_subcore>, window_params = [{transform_indices = #map}, {transform_indices = #map1}, {transform_indices = #map}, {transform_indices = #map}, {transform_indices = #map2}]} {
    %mul3A = arith.constant 2 : i32
    %mul3A_0 = arith.muli %arg1, %mul3A : i32
    %add3A = arith.addi %mul3A_0, %arg0 : i32
    %rem3A = arith.constant 16 : i32
    %rem3A_1 = arith.remsi %add3A, %rem3A : i32
    %div3A = arith.constant 16 : i32
    %div3A_2 = arith.divsi %add3A, %div3A : i32
    %mul3A_3 = arith.constant 16 : i32
    %mul3A_4 = arith.muli %rem3A_1, %mul3A_3 : i32
    %div3A_5 = arith.constant 8 : i32
    %div3A_6 = arith.divsi %rem3A_1, %div3A_5 : i32
    %rem3A_7 = arith.constant 8 : i32
    %rem3A_8 = arith.remsi %rem3A_1, %rem3A_7 : i32
    %mul3A_9 = arith.constant 16 : i32
    %mul3A_10 = arith.muli %rem3A_8, %mul3A_9 : i32
    %mul3A_11 = arith.constant 3 : i32
    %mul3A_12 = arith.muli %div3A_2, %mul3A_11 : i32
    %iota3A = tpu.iota {dimensions = array<i32: 0>} : vector<16xi32>
    %broadcast_in_dim3A = arith.constant 0.000000e+00 : f32
    %broadcast_in_dim3A_13 = vector.broadcast %broadcast_in_dim3A : f32 to vector<16xf32>
    %dma_start3A = arith.constant 1 : i32
    %dma_start3A_14 = arith.constant 0 : i32
    %dma_start3A_15 = arith.constant 0 : i32
    %dma_start3A_16 = tpu.memref_slice %arg3[%dma_start3A, %mul3A_12, %dma_start3A_14, %div3A_6, %dma_start3A_15, %mul3A_10] : memref<2x7x7x2x2x128xf32, #tpu.memory_space<hbm>> -> memref<1x4x7x1x2x16xf32, #tpu.memory_space<hbm>>
    %dma_start3A_17 = tpu.memref_squeeze %dma_start3A_16 : memref<1x4x7x1x2x16xf32, #tpu.memory_space<hbm>> -> memref<4x7x2x16xf32, #tpu.memory_space<hbm>>
    %dma_start3A_18 = arith.constant 0 : i32
    %dma_start3A_19 = arith.constant 0 : i32
    %dma_start3A_20 = tpu.memref_slice %arg3[%dma_start3A, %mul3A_12, %dma_start3A_18, %div3A_6, %dma_start3A_19, %mul3A_10] : memref<2x7x7x2x2x128xf32, #tpu.memory_space<hbm>> -> memref<1x4x7x1x2x16xf32, #tpu.memory_space<hbm>>
    %dma_start3A_21 = tpu.memref_squeeze %dma_start3A_20 : memref<1x4x7x1x2x16xf32, #tpu.memory_space<hbm>> -> memref<4x7x2x16xf32, #tpu.memory_space<hbm>>
    tpu.enqueue_dma source(%dma_start3A_21 : memref<4x7x2x16xf32, #tpu.memory_space<hbm>>) target(%arg10 : memref<4x7x2x16xf32, #tpu.memory_space<vmem>>) target_semaphore(%arg14 : memref<!tpu.dma_semaphore, #tpu.memory_space<semaphore_mem>>)
    %dma_start3A_22 = arith.constant 0 : i32
    %dma_start3A_23 = arith.constant 0 : i32
    %dma_start3A_24 = arith.constant 0 : i32
    %dma_start3A_25 = tpu.memref_slice %arg3[%dma_start3A_22, %mul3A_12, %dma_start3A_23, %div3A_6, %dma_start3A_24, %mul3A_10] : memref<2x7x7x2x2x128xf32, #tpu.memory_space<hbm>> -> memref<1x4x7x1x2x16xf32, #tpu.memory_space<hbm>>
    %dma_start3A_26 = tpu.memref_squeeze %dma_start3A_25 : memref<1x4x7x1x2x16xf32, #tpu.memory_space<hbm>> -> memref<4x7x2x16xf32, #tpu.memory_space<hbm>>
    %dma_start3A_27 = arith.constant 0 : i32
    %dma_start3A_28 = arith.constant 0 : i32
    %dma_start3A_29 = tpu.memref_slice %arg3[%dma_start3A_22, %mul3A_12, %dma_start3A_27, %div3A_6, %dma_start3A_28, %mul3A_10] : memref<2x7x7x2x2x128xf32, #tpu.memory_space<hbm>> -> memref<1x4x7x1x2x16xf32, #tpu.memory_space<hbm>>
    %dma_start3A_30 = tpu.memref_squeeze %dma_start3A_29 : memref<1x4x7x1x2x16xf32, #tpu.memory_space<hbm>> -> memref<4x7x2x16xf32, #tpu.memory_space<hbm>>
    tpu.enqueue_dma source(%dma_start3A_30 : memref<4x7x2x16xf32, #tpu.memory_space<hbm>>) target(%arg9 : memref<4x7x2x16xf32, #tpu.memory_space<vmem>>) target_semaphore(%arg14 : memref<!tpu.dma_semaphore, #tpu.memory_space<semaphore_mem>>)
    %dma_start3A_31 = arith.constant 0 : i32
    %dma_start3A_32 = arith.constant 0 : i32
    %dma_start3A_33 = tpu.memref_slice %arg4[%mul3A_12, %dma_start3A_31, %div3A_6, %dma_start3A_32, %mul3A_10] : memref<7x7x2x8x128xf32, #tpu.memory_space<hbm>> -> memref<4x7x1x8x16xf32, #tpu.memory_space<hbm>>
    %dma_start3A_34 = tpu.memref_squeeze %dma_start3A_33 : memref<4x7x1x8x16xf32, #tpu.memory_space<hbm>> -> memref<4x7x8x16xf32, #tpu.memory_space<hbm>>
    %dma_start3A_35 = arith.constant 0 : i32
    %dma_start3A_36 = arith.constant 0 : i32
    %dma_start3A_37 = tpu.memref_slice %arg4[%mul3A_12, %dma_start3A_35, %div3A_6, %dma_start3A_36, %mul3A_10] : memref<7x7x2x8x128xf32, #tpu.memory_space<hbm>> -> memref<4x7x1x8x16xf32, #tpu.memory_space<hbm>>
    %dma_start3A_38 = tpu.memref_squeeze %dma_start3A_37 : memref<4x7x1x8x16xf32, #tpu.memory_space<hbm>> -> memref<4x7x8x16xf32, #tpu.memory_space<hbm>>
    tpu.enqueue_dma source(%dma_start3A_38 : memref<4x7x8x16xf32, #tpu.memory_space<hbm>>) target(%arg11 : memref<4x7x8x16xf32, #tpu.memory_space<vmem>>) target_semaphore(%arg14 : memref<!tpu.dma_semaphore, #tpu.memory_space<semaphore_mem>>)
    %dma_start3A_39 = arith.constant 0 : i32
    %dma_start3A_40 = arith.constant 0 : i32
    %dma_start3A_41 = tpu.memref_slice %arg5[%mul3A_12, %dma_start3A_39, %div3A_6, %dma_start3A_40, %mul3A_10] : memref<7x7x2x8x128xf32, #tpu.memory_space<hbm>> -> memref<4x7x1x8x16xf32, #tpu.memory_space<hbm>>
    %dma_start3A_42 = tpu.memref_squeeze %dma_start3A_41 : memref<4x7x1x8x16xf32, #tpu.memory_space<hbm>> -> memref<4x7x8x16xf32, #tpu.memory_space<hbm>>
    %dma_start3A_43 = arith.constant 0 : i32
    %dma_start3A_44 = arith.constant 0 : i32
    %dma_start3A_45 = tpu.memref_slice %arg5[%mul3A_12, %dma_start3A_43, %div3A_6, %dma_start3A_44, %mul3A_10] : memref<7x7x2x8x128xf32, #tpu.memory_space<hbm>> -> memref<4x7x1x8x16xf32, #tpu.memory_space<hbm>>
    %dma_start3A_46 = tpu.memref_squeeze %dma_start3A_45 : memref<4x7x1x8x16xf32, #tpu.memory_space<hbm>> -> memref<4x7x8x16xf32, #tpu.memory_space<hbm>>
    tpu.enqueue_dma source(%dma_start3A_46 : memref<4x7x8x16xf32, #tpu.memory_space<hbm>>) target(%arg12 : memref<4x7x8x16xf32, #tpu.memory_space<vmem>>) target_semaphore(%arg14 : memref<!tpu.dma_semaphore, #tpu.memory_space<semaphore_mem>>)
    %dma_start3A_47 = arith.constant 0 : i32
    %dma_start3A_48 = arith.constant 0 : i32
    %dma_start3A_49 = arith.constant 0 : i32
    %dma_start3A_50 = tpu.memref_slice %arg2[%dma_start3A_47, %mul3A_12, %dma_start3A_48, %dma_start3A_49, %mul3A_4] : memref<2x7x20x7x256xf32, #tpu.memory_space<hbm>> -> memref<1x4x20x7x16xf32, #tpu.memory_space<hbm>>
    %dma_start3A_51 = tpu.memref_squeeze %dma_start3A_50 : memref<1x4x20x7x16xf32, #tpu.memory_space<hbm>> -> memref<4x20x7x16xf32, #tpu.memory_space<hbm>>
    %dma_start3A_52 = arith.constant 0 : i32
    %dma_start3A_53 = arith.constant 0 : i32
    %dma_start3A_54 = tpu.memref_slice %arg2[%dma_start3A_47, %mul3A_12, %dma_start3A_52, %dma_start3A_53, %mul3A_4] : memref<2x7x20x7x256xf32, #tpu.memory_space<hbm>> -> memref<1x4x20x7x16xf32, #tpu.memory_space<hbm>>
    %dma_start3A_55 = tpu.memref_squeeze %dma_start3A_54 : memref<1x4x20x7x16xf32, #tpu.memory_space<hbm>> -> memref<4x20x7x16xf32, #tpu.memory_space<hbm>>
    tpu.enqueue_dma source(%dma_start3A_55 : memref<4x20x7x16xf32, #tpu.memory_space<hbm>>) target(%arg7 : memref<4x20x7x16xf32, #tpu.memory_space<vmem>>) target_semaphore(%arg15 : memref<!tpu.dma_semaphore, #tpu.memory_space<semaphore_mem>>)
    %dma_start3A_56 = arith.constant 1 : i32
    %dma_start3A_57 = arith.constant 0 : i32
    %dma_start3A_58 = arith.constant 0 : i32
    %dma_start3A_59 = tpu.memref_slice %arg2[%dma_start3A_56, %mul3A_12, %dma_start3A_57, %dma_start3A_58, %mul3A_4] : memref<2x7x20x7x256xf32, #tpu.memory_space<hbm>> -> memref<1x4x20x7x16xf32, #tpu.memory_space<hbm>>
    %dma_start3A_60 = tpu.memref_squeeze %dma_start3A_59 : memref<1x4x20x7x16xf32, #tpu.memory_space<hbm>> -> memref<4x20x7x16xf32, #tpu.memory_space<hbm>>
    %dma_start3A_61 = arith.constant 0 : i32
    %dma_start3A_62 = arith.constant 0 : i32
    %dma_start3A_63 = tpu.memref_slice %arg2[%dma_start3A_56, %mul3A_12, %dma_start3A_61, %dma_start3A_62, %mul3A_4] : memref<2x7x20x7x256xf32, #tpu.memory_space<hbm>> -> memref<1x4x20x7x16xf32, #tpu.memory_space<hbm>>
    %dma_start3A_64 = tpu.memref_squeeze %dma_start3A_63 : memref<1x4x20x7x16xf32, #tpu.memory_space<hbm>> -> memref<4x20x7x16xf32, #tpu.memory_space<hbm>>
    tpu.enqueue_dma source(%dma_start3A_64 : memref<4x20x7x16xf32, #tpu.memory_space<hbm>>) target(%arg8 : memref<4x20x7x16xf32, #tpu.memory_space<vmem>>) target_semaphore(%arg15 : memref<!tpu.dma_semaphore, #tpu.memory_space<semaphore_mem>>)
    %dma_wait3A = arith.constant 1 : i32
    %dma_wait3A_65 = arith.constant 0 : i32
    %dma_wait3A_66 = arith.constant 0 : i32
    %dma_wait3A_67 = tpu.memref_slice %arg3[%dma_wait3A, %mul3A_12, %dma_wait3A_65, %div3A_6, %dma_wait3A_66, %mul3A_10] : memref<2x7x7x2x2x128xf32, #tpu.memory_space<hbm>> -> memref<1x4x7x1x2x16xf32, #tpu.memory_space<hbm>>
    %dma_wait3A_68 = tpu.memref_squeeze %dma_wait3A_67 : memref<1x4x7x1x2x16xf32, #tpu.memory_space<hbm>> -> memref<4x7x2x16xf32, #tpu.memory_space<hbm>>
    %dma_wait3A_69 = arith.constant 0 : i32
    %dma_wait3A_70 = arith.constant 0 : i32
    %dma_wait3A_71 = tpu.memref_slice %arg3[%dma_wait3A, %mul3A_12, %dma_wait3A_69, %div3A_6, %dma_wait3A_70, %mul3A_10] : memref<2x7x7x2x2x128xf32, #tpu.memory_space<hbm>> -> memref<1x4x7x1x2x16xf32, #tpu.memory_space<hbm>>
    %dma_wait3A_72 = tpu.memref_squeeze %dma_wait3A_71 : memref<1x4x7x1x2x16xf32, #tpu.memory_space<hbm>> -> memref<4x7x2x16xf32, #tpu.memory_space<hbm>>
    tpu.wait_dma2 semaphore(%arg14 : memref<!tpu.dma_semaphore, #tpu.memory_space<semaphore_mem>>) src(%dma_wait3A_72 : memref<4x7x2x16xf32, #tpu.memory_space<hbm>>) dst(%arg10 : memref<4x7x2x16xf32, #tpu.memory_space<vmem>>)
    %dma_wait3A_73 = arith.constant 0 : i32
    %dma_wait3A_74 = arith.constant 0 : i32
    %dma_wait3A_75 = arith.constant 0 : i32
    %dma_wait3A_76 = tpu.memref_slice %arg3[%dma_wait3A_73, %mul3A_12, %dma_wait3A_74, %div3A_6, %dma_wait3A_75, %mul3A_10] : memref<2x7x7x2x2x128xf32, #tpu.memory_space<hbm>> -> memref<1x4x7x1x2x16xf32, #tpu.memory_space<hbm>>
    %dma_wait3A_77 = tpu.memref_squeeze %dma_wait3A_76 : memref<1x4x7x1x2x16xf32, #tpu.memory_space<hbm>> -> memref<4x7x2x16xf32, #tpu.memory_space<hbm>>
    %dma_wait3A_78 = arith.constant 0 : i32
    %dma_wait3A_79 = arith.constant 0 : i32
    %dma_wait3A_80 = tpu.memref_slice %arg3[%dma_wait3A_73, %mul3A_12, %dma_wait3A_78, %div3A_6, %dma_wait3A_79, %mul3A_10] : memref<2x7x7x2x2x128xf32, #tpu.memory_space<hbm>> -> memref<1x4x7x1x2x16xf32, #tpu.memory_space<hbm>>
    %dma_wait3A_81 = tpu.memref_squeeze %dma_wait3A_80 : memref<1x4x7x1x2x16xf32, #tpu.memory_space<hbm>> -> memref<4x7x2x16xf32, #tpu.memory_space<hbm>>
    tpu.wait_dma2 semaphore(%arg14 : memref<!tpu.dma_semaphore, #tpu.memory_space<semaphore_mem>>) src(%dma_wait3A_81 : memref<4x7x2x16xf32, #tpu.memory_space<hbm>>) dst(%arg9 : memref<4x7x2x16xf32, #tpu.memory_space<vmem>>)
    %dma_wait3A_82 = arith.constant 0 : i32
    %dma_wait3A_83 = arith.constant 0 : i32
    %dma_wait3A_84 = tpu.memref_slice %arg4[%mul3A_12, %dma_wait3A_82, %div3A_6, %dma_wait3A_83, %mul3A_10] : memref<7x7x2x8x128xf32, #tpu.memory_space<hbm>> -> memref<4x7x1x8x16xf32, #tpu.memory_space<hbm>>
    %dma_wait3A_85 = tpu.memref_squeeze %dma_wait3A_84 : memref<4x7x1x8x16xf32, #tpu.memory_space<hbm>> -> memref<4x7x8x16xf32, #tpu.memory_space<hbm>>
    %dma_wait3A_86 = arith.constant 0 : i32
    %dma_wait3A_87 = arith.constant 0 : i32
    %dma_wait3A_88 = tpu.memref_slice %arg4[%mul3A_12, %dma_wait3A_86, %div3A_6, %dma_wait3A_87, %mul3A_10] : memref<7x7x2x8x128xf32, #tpu.memory_space<hbm>> -> memref<4x7x1x8x16xf32, #tpu.memory_space<hbm>>
    %dma_wait3A_89 = tpu.memref_squeeze %dma_wait3A_88 : memref<4x7x1x8x16xf32, #tpu.memory_space<hbm>> -> memref<4x7x8x16xf32, #tpu.memory_space<hbm>>
    tpu.wait_dma2 semaphore(%arg14 : memref<!tpu.dma_semaphore, #tpu.memory_space<semaphore_mem>>) src(%dma_wait3A_89 : memref<4x7x8x16xf32, #tpu.memory_space<hbm>>) dst(%arg11 : memref<4x7x8x16xf32, #tpu.memory_space<vmem>>)
    %dma_wait3A_90 = arith.constant 0 : i32
    %dma_wait3A_91 = arith.constant 0 : i32
    %dma_wait3A_92 = tpu.memref_slice %arg5[%mul3A_12, %dma_wait3A_90, %div3A_6, %dma_wait3A_91, %mul3A_10] : memref<7x7x2x8x128xf32, #tpu.memory_space<hbm>> -> memref<4x7x1x8x16xf32, #tpu.memory_space<hbm>>
    %dma_wait3A_93 = tpu.memref_squeeze %dma_wait3A_92 : memref<4x7x1x8x16xf32, #tpu.memory_space<hbm>> -> memref<4x7x8x16xf32, #tpu.memory_space<hbm>>
    %dma_wait3A_94 = arith.constant 0 : i32
    %dma_wait3A_95 = arith.constant 0 : i32
    %dma_wait3A_96 = tpu.memref_slice %arg5[%mul3A_12, %dma_wait3A_94, %div3A_6, %dma_wait3A_95, %mul3A_10] : memref<7x7x2x8x128xf32, #tpu.memory_space<hbm>> -> memref<4x7x1x8x16xf32, #tpu.memory_space<hbm>>
    %dma_wait3A_97 = tpu.memref_squeeze %dma_wait3A_96 : memref<4x7x1x8x16xf32, #tpu.memory_space<hbm>> -> memref<4x7x8x16xf32, #tpu.memory_space<hbm>>
    tpu.wait_dma2 semaphore(%arg14 : memref<!tpu.dma_semaphore, #tpu.memory_space<semaphore_mem>>) src(%dma_wait3A_97 : memref<4x7x8x16xf32, #tpu.memory_space<hbm>>) dst(%arg12 : memref<4x7x8x16xf32, #tpu.memory_space<vmem>>)
    %gt3A = arith.constant 0 : i32
    %gt3A_98 = arith.cmpi sgt, %div3A_2, %gt3A : i32
    %scan3A = arith.constant 0 : i32
    %scan3A_99 = arith.constant 28 : i32
    %scan3A_100 = arith.addi %scan3A, %scan3A_99 : i32
    %scan3A_101 = arith.constant 1 : i32
    %scan3A_102:4 = scf.for %scan3A_194 = %scan3A to %scan3A_100 step %scan3A_101 iter_args(%scan3A_195 = %broadcast_in_dim3A_13, %scan3A_196 = %broadcast_in_dim3A_13, %scan3A_197 = %broadcast_in_dim3A_13, %scan3A_198 = %broadcast_in_dim3A_13) -> (vector<16xf32>, vector<16xf32>, vector<16xf32>, vector<16xf32>)  : i32 {
      %div3A_199 = arith.constant 7 : i32
      %div3A_200 = arith.divsi %scan3A_194, %div3A_199 : i32
      %rem3A_201 = arith.constant 7 : i32
      %rem3A_202 = arith.remsi %scan3A_194, %rem3A_201 : i32
      %eq3A_203 = arith.constant 0 : i32
      %eq3A_204 = arith.cmpi eq, %div3A_200, %eq3A_203 : i32
      %eq3A_205 = arith.constant 3 : i32
      %eq3A_206 = arith.cmpi eq, %div3A_200, %eq3A_205 : i32
      %select_n3A_207 = arith.select %gt3A_98, %eq3A_204, %eq3A_206 : i1
      %ge3A = arith.constant 4 : i32
      %ge3A_208 = arith.cmpi sge, %rem3A_202, %ge3A : i32
      %lt3A = arith.constant 4 : i32
      %lt3A_209 = arith.cmpi slt, %rem3A_202, %lt3A : i32
      %select_n3A_210 = arith.select %gt3A_98, %ge3A_208, %lt3A_209 : i1
      %not3A = arith.constant true
      %not3A_211 = arith.xori %select_n3A_210, %not3A : i1
      %and3A = arith.andi %select_n3A_207, %not3A_211 : i1
      %jit3A_212 = arith.constant 0.000000e+00 : f32
      %jit3A_213 = arith.constant 1.000000e+00 : f32
      %select_n3A_214 = arith.select %and3A, %jit3A_212, %jit3A_213 : f32
      %get3A = arith.constant 0 : i32
      %get3A_215 = arith.index_cast %div3A_200 : i32 to index
      %get3A_216 = arith.index_cast %rem3A_202 : i32 to index
      %get3A_217 = arith.index_cast %get3A : i32 to index
      %get3A_218 = arith.constant 0 : index
      %get3A_219 = tpu.vector_load %arg10[%get3A_215, %get3A_216, %get3A_217, %get3A_218] {strides = array<i32>} : memref<4x7x2x16xf32, #tpu.memory_space<vmem>>, vector<16xf32>,
      %gt3A_220 = arith.constant 0.000000e+00 : f32
      %gt3A_221 = vector.broadcast %gt3A_220 : f32 to vector<16xf32>
      %gt3A_222 = arith.cmpf ogt, %get3A_219, %gt3A_221 : vector<16xf32>
      %jit3A_223 = arith.constant 0.000000e+00 : f32
      %broadcast_in_dim3A_224 = vector.broadcast %select_n3A_214 : f32 to vector<16xf32>
      %broadcast_in_dim3A_225 = vector.broadcast %jit3A_223 : f32 to vector<16xf32>
      %select_n3A_226 = arith.select %gt3A_222, %broadcast_in_dim3A_224, %broadcast_in_dim3A_225 : vector<16xi1>, vector<16xf32>
      %gt3A_227 = arith.constant 0.000000e+00 : f32
      %gt3A_228 = vector.broadcast %gt3A_227 : f32 to vector<16xf32>
      %gt3A_229 = arith.cmpf ogt, %select_n3A_226, %gt3A_228 : vector<16xf32>
      %get3A_230 = arith.constant 0 : i32
      %get3A_231 = arith.index_cast %div3A_200 : i32 to index
      %get3A_232 = arith.index_cast %rem3A_202 : i32 to index
      %get3A_233 = arith.index_cast %get3A_230 : i32 to index
      %get3A_234 = arith.constant 0 : index
      %get3A_235 = tpu.vector_load %arg10[%get3A_231, %get3A_232, %get3A_233, %get3A_234] {strides = array<i32>} : memref<4x7x2x16xf32, #tpu.memory_space<vmem>>, vector<16xf32>,
      %get3A_236 = arith.constant 1 : i32
      %get3A_237 = arith.index_cast %div3A_200 : i32 to index
      %get3A_238 = arith.index_cast %rem3A_202 : i32 to index
      %get3A_239 = arith.index_cast %get3A_236 : i32 to index
      %get3A_240 = arith.constant 0 : index
      %get3A_241 = tpu.vector_load %arg10[%get3A_237, %get3A_238, %get3A_239, %get3A_240] {strides = array<i32>} : memref<4x7x2x16xf32, #tpu.memory_space<vmem>>, vector<16xf32>,
      %get3A_242 = arith.constant 0 : i32
      %get3A_243 = arith.index_cast %div3A_200 : i32 to index
      %get3A_244 = arith.index_cast %rem3A_202 : i32 to index
      %get3A_245 = arith.index_cast %get3A_242 : i32 to index
      %get3A_246 = arith.constant 0 : index
      %get3A_247 = tpu.vector_load %arg9[%get3A_243, %get3A_244, %get3A_245, %get3A_246] {strides = array<i32>} : memref<4x7x2x16xf32, #tpu.memory_space<vmem>>, vector<16xf32>,
      %get3A_248 = arith.constant 1 : i32
      %get3A_249 = arith.index_cast %div3A_200 : i32 to index
      %get3A_250 = arith.index_cast %rem3A_202 : i32 to index
      %get3A_251 = arith.index_cast %get3A_248 : i32 to index
      %get3A_252 = arith.constant 0 : index
      %get3A_253 = tpu.vector_load %arg9[%get3A_249, %get3A_250, %get3A_251, %get3A_252] {strides = array<i32>} : memref<4x7x2x16xf32, #tpu.memory_space<vmem>>, vector<16xf32>,
      %get3A_254 = arith.constant 0 : i32
      %get3A_255 = arith.index_cast %div3A_200 : i32 to index
      %get3A_256 = arith.index_cast %rem3A_202 : i32 to index
      %get3A_257 = arith.index_cast %get3A_254 : i32 to index
      %get3A_258 = arith.constant 0 : index
      %get3A_259 = tpu.vector_load %arg12[%get3A_255, %get3A_256, %get3A_257, %get3A_258] {strides = array<i32>} : memref<4x7x8x16xf32, #tpu.memory_space<vmem>>, vector<16xf32>,
      %get3A_260 = arith.constant 1 : i32
      %get3A_261 = arith.index_cast %div3A_200 : i32 to index
      %get3A_262 = arith.index_cast %rem3A_202 : i32 to index
      %get3A_263 = arith.index_cast %get3A_260 : i32 to index
      %get3A_264 = arith.constant 0 : index
      %get3A_265 = tpu.vector_load %arg12[%get3A_261, %get3A_262, %get3A_263, %get3A_264] {strides = array<i32>} : memref<4x7x8x16xf32, #tpu.memory_space<vmem>>, vector<16xf32>,
      %get3A_266 = arith.constant 2 : i32
      %get3A_267 = arith.index_cast %div3A_200 : i32 to index
      %get3A_268 = arith.index_cast %rem3A_202 : i32 to index
      %get3A_269 = arith.index_cast %get3A_266 : i32 to index
      %get3A_270 = arith.constant 0 : index
      %get3A_271 = tpu.vector_load %arg12[%get3A_267, %get3A_268, %get3A_269, %get3A_270] {strides = array<i32>} : memref<4x7x8x16xf32, #tpu.memory_space<vmem>>, vector<16xf32>,
      %get3A_272 = arith.constant 3 : i32
      %get3A_273 = arith.index_cast %div3A_200 : i32 to index
      %get3A_274 = arith.index_cast %rem3A_202 : i32 to index
      %get3A_275 = arith.index_cast %get3A_272 : i32 to index
      %get3A_276 = arith.constant 0 : index
      %get3A_277 = tpu.vector_load %arg12[%get3A_273, %get3A_274, %get3A_275, %get3A_276] {strides = array<i32>} : memref<4x7x8x16xf32, #tpu.memory_space<vmem>>, vector<16xf32>,
      %mul3A_278 = arith.mulf %get3A_271, %get3A_271 : vector<16xf32>
      %mul3A_279 = arith.constant 5.000000e-01 : f32
      %mul3A_280 = vector.broadcast %mul3A_279 : f32 to vector<16xf32>
      %mul3A_281 = arith.mulf %mul3A_280, %mul3A_278 : vector<16xf32>
      %mul3A_282 = arith.mulf %get3A_277, %get3A_277 : vector<16xf32>
      %mul3A_283 = arith.constant 5.000000e-01 : f32
      %mul3A_284 = vector.broadcast %mul3A_283 : f32 to vector<16xf32>
      %mul3A_285 = arith.mulf %mul3A_284, %mul3A_282 : vector<16xf32>
      %sub3A = arith.subf %get3A_259, %mul3A_281 : vector<16xf32>
      %sub3A_286 = arith.subf %get3A_265, %mul3A_285 : vector<16xf32>
      %add3A_287 = arith.addf %get3A_259, %mul3A_281 : vector<16xf32>
      %add3A_288 = arith.addf %get3A_265, %mul3A_285 : vector<16xf32>
      %get3A_289 = arith.constant 0 : i32
      %get3A_290 = arith.index_cast %div3A_200 : i32 to index
      %get3A_291 = arith.index_cast %rem3A_202 : i32 to index
      %get3A_292 = arith.index_cast %get3A_289 : i32 to index
      %get3A_293 = arith.constant 0 : index
      %get3A_294 = tpu.vector_load %arg11[%get3A_290, %get3A_291, %get3A_292, %get3A_293] {strides = array<i32>} : memref<4x7x8x16xf32, #tpu.memory_space<vmem>>, vector<16xf32>,
      %get3A_295 = arith.constant 1 : i32
      %get3A_296 = arith.index_cast %div3A_200 : i32 to index
      %get3A_297 = arith.index_cast %rem3A_202 : i32 to index
      %get3A_298 = arith.index_cast %get3A_295 : i32 to index
      %get3A_299 = arith.constant 0 : index
      %get3A_300 = tpu.vector_load %arg11[%get3A_296, %get3A_297, %get3A_298, %get3A_299] {strides = array<i32>} : memref<4x7x8x16xf32, #tpu.memory_space<vmem>>, vector<16xf32>,
      %get3A_301 = arith.constant 2 : i32
      %get3A_302 = arith.index_cast %div3A_200 : i32 to index
      %get3A_303 = arith.index_cast %rem3A_202 : i32 to index
      %get3A_304 = arith.index_cast %get3A_301 : i32 to index
      %get3A_305 = arith.constant 0 : index
      %get3A_306 = tpu.vector_load %arg11[%get3A_302, %get3A_303, %get3A_304, %get3A_305] {strides = array<i32>} : memref<4x7x8x16xf32, #tpu.memory_space<vmem>>, vector<16xf32>,
      %get3A_307 = arith.constant 3 : i32
      %get3A_308 = arith.index_cast %div3A_200 : i32 to index
      %get3A_309 = arith.index_cast %rem3A_202 : i32 to index
      %get3A_310 = arith.index_cast %get3A_307 : i32 to index
      %get3A_311 = arith.constant 0 : index
      %get3A_312 = tpu.vector_load %arg11[%get3A_308, %get3A_309, %get3A_310, %get3A_311] {strides = array<i32>} : memref<4x7x8x16xf32, #tpu.memory_space<vmem>>, vector<16xf32>,
      %mul3A_313 = arith.mulf %get3A_306, %get3A_306 : vector<16xf32>
      %mul3A_314 = arith.constant 5.000000e-01 : f32
      %mul3A_315 = vector.broadcast %mul3A_314 : f32 to vector<16xf32>
      %mul3A_316 = arith.mulf %mul3A_315, %mul3A_313 : vector<16xf32>
      %mul3A_317 = arith.mulf %get3A_312, %get3A_312 : vector<16xf32>
      %mul3A_318 = arith.constant 5.000000e-01 : f32
      %mul3A_319 = vector.broadcast %mul3A_318 : f32 to vector<16xf32>
      %mul3A_320 = arith.mulf %mul3A_319, %mul3A_317 : vector<16xf32>
      %sub3A_321 = arith.subf %get3A_294, %mul3A_316 : vector<16xf32>
      %sub3A_322 = arith.subf %get3A_300, %mul3A_320 : vector<16xf32>
      %add3A_323 = arith.addf %get3A_294, %mul3A_316 : vector<16xf32>
      %add3A_324 = arith.addf %get3A_300, %mul3A_320 : vector<16xf32>
      %max3A = arith.maximumf %sub3A, %sub3A_321 : vector<16xf32>
      %max3A_325 = arith.maximumf %sub3A_286, %sub3A_322 : vector<16xf32>
      %min3A = arith.minimumf %add3A_287, %add3A_323 : vector<16xf32>
      %min3A_326 = arith.minimumf %add3A_288, %add3A_324 : vector<16xf32>
      %sub3A_327 = arith.subf %min3A, %max3A : vector<16xf32>
      %max3A_328 = arith.constant 0.000000e+00 : f32
      %max3A_329 = vector.broadcast %max3A_328 : f32 to vector<16xf32>
      %max3A_330 = arith.maximumf %sub3A_327, %max3A_329 : vector<16xf32>
      %sub3A_331 = arith.subf %min3A_326, %max3A_325 : vector<16xf32>
      %max3A_332 = arith.constant 0.000000e+00 : f32
      %max3A_333 = vector.broadcast %max3A_332 : f32 to vector<16xf32>
      %max3A_334 = arith.maximumf %sub3A_331, %max3A_333 : vector<16xf32>
      %mul3A_335 = arith.mulf %max3A_330, %max3A_334 : vector<16xf32>
      %sub3A_336 = arith.subf %add3A_287, %sub3A : vector<16xf32>
      %sub3A_337 = arith.subf %add3A_288, %sub3A_286 : vector<16xf32>
      %mul3A_338 = arith.mulf %sub3A_336, %sub3A_337 : vector<16xf32>
      %sub3A_339 = arith.subf %add3A_323, %sub3A_321 : vector<16xf32>
      %sub3A_340 = arith.subf %add3A_324, %sub3A_322 : vector<16xf32>
      %mul3A_341 = arith.mulf %sub3A_339, %sub3A_340 : vector<16xf32>
      %add3A_342 = arith.addf %mul3A_338, %mul3A_341 : vector<16xf32>
      %sub3A_343 = arith.subf %add3A_342, %mul3A_335 : vector<16xf32>
      %div3A_344 = arith.divf %mul3A_335, %sub3A_343 : vector<16xf32>
      %jit3A_345 = arith.constant 0.000000e+00 : f32
      %broadcast_in_dim3A_346 = vector.broadcast %jit3A_345 : f32 to vector<16xf32>
      %select_n3A_347 = arith.select %gt3A_229, %div3A_344, %broadcast_in_dim3A_346 : vector<16xi1>, vector<16xf32>
      %get3A_348 = arith.constant 4 : i32
      %get3A_349 = arith.index_cast %div3A_200 : i32 to index
      %get3A_350 = arith.index_cast %rem3A_202 : i32 to index
      %get3A_351 = arith.index_cast %get3A_348 : i32 to index
      %get3A_352 = arith.constant 0 : index
      %get3A_353 = tpu.vector_load %arg12[%get3A_349, %get3A_350, %get3A_351, %get3A_352] {strides = array<i32>} : memref<4x7x8x16xf32, #tpu.memory_space<vmem>>, vector<16xf32>,
      %get3A_354 = arith.constant 5 : i32
      %get3A_355 = arith.index_cast %div3A_200 : i32 to index
      %get3A_356 = arith.index_cast %rem3A_202 : i32 to index
      %get3A_357 = arith.index_cast %get3A_354 : i32 to index
      %get3A_358 = arith.constant 0 : index
      %get3A_359 = tpu.vector_load %arg12[%get3A_355, %get3A_356, %get3A_357, %get3A_358] {strides = array<i32>} : memref<4x7x8x16xf32, #tpu.memory_space<vmem>>, vector<16xf32>,
      %get3A_360 = arith.constant 6 : i32
      %get3A_361 = arith.index_cast %div3A_200 : i32 to index
      %get3A_362 = arith.index_cast %rem3A_202 : i32 to index
      %get3A_363 = arith.index_cast %get3A_360 : i32 to index
      %get3A_364 = arith.constant 0 : index
      %get3A_365 = tpu.vector_load %arg12[%get3A_361, %get3A_362, %get3A_363, %get3A_364] {strides = array<i32>} : memref<4x7x8x16xf32, #tpu.memory_space<vmem>>, vector<16xf32>,
      %get3A_366 = arith.constant 7 : i32
      %get3A_367 = arith.index_cast %div3A_200 : i32 to index
      %get3A_368 = arith.index_cast %rem3A_202 : i32 to index
      %get3A_369 = arith.index_cast %get3A_366 : i32 to index
      %get3A_370 = arith.constant 0 : index
      %get3A_371 = tpu.vector_load %arg12[%get3A_367, %get3A_368, %get3A_369, %get3A_370] {strides = array<i32>} : memref<4x7x8x16xf32, #tpu.memory_space<vmem>>, vector<16xf32>,
      %mul3A_372 = arith.mulf %get3A_365, %get3A_365 : vector<16xf32>
      %mul3A_373 = arith.constant 5.000000e-01 : f32
      %mul3A_374 = vector.broadcast %mul3A_373 : f32 to vector<16xf32>
      %mul3A_375 = arith.mulf %mul3A_374, %mul3A_372 : vector<16xf32>
      %mul3A_376 = arith.mulf %get3A_371, %get3A_371 : vector<16xf32>
      %mul3A_377 = arith.constant 5.000000e-01 : f32
      %mul3A_378 = vector.broadcast %mul3A_377 : f32 to vector<16xf32>
      %mul3A_379 = arith.mulf %mul3A_378, %mul3A_376 : vector<16xf32>
      %sub3A_380 = arith.subf %get3A_353, %mul3A_375 : vector<16xf32>
      %sub3A_381 = arith.subf %get3A_359, %mul3A_379 : vector<16xf32>
      %add3A_382 = arith.addf %get3A_353, %mul3A_375 : vector<16xf32>
      %add3A_383 = arith.addf %get3A_359, %mul3A_379 : vector<16xf32>
      %get3A_384 = arith.constant 4 : i32
      %get3A_385 = arith.index_cast %div3A_200 : i32 to index
      %get3A_386 = arith.index_cast %rem3A_202 : i32 to index
      %get3A_387 = arith.index_cast %get3A_384 : i32 to index
      %get3A_388 = arith.constant 0 : index
      %get3A_389 = tpu.vector_load %arg11[%get3A_385, %get3A_386, %get3A_387, %get3A_388] {strides = array<i32>} : memref<4x7x8x16xf32, #tpu.memory_space<vmem>>, vector<16xf32>,
      %get3A_390 = arith.constant 5 : i32
      %get3A_391 = arith.index_cast %div3A_200 : i32 to index
      %get3A_392 = arith.index_cast %rem3A_202 : i32 to index
      %get3A_393 = arith.index_cast %get3A_390 : i32 to index
      %get3A_394 = arith.constant 0 : index
      %get3A_395 = tpu.vector_load %arg11[%get3A_391, %get3A_392, %get3A_393, %get3A_394] {strides = array<i32>} : memref<4x7x8x16xf32, #tpu.memory_space<vmem>>, vector<16xf32>,
      %get3A_396 = arith.constant 6 : i32
      %get3A_397 = arith.index_cast %div3A_200 : i32 to index
      %get3A_398 = arith.index_cast %rem3A_202 : i32 to index
      %get3A_399 = arith.index_cast %get3A_396 : i32 to index
      %get3A_400 = arith.constant 0 : index
      %get3A_401 = tpu.vector_load %arg11[%get3A_397, %get3A_398, %get3A_399, %get3A_400] {strides = array<i32>} : memref<4x7x8x16xf32, #tpu.memory_space<vmem>>, vector<16xf32>,
      %get3A_402 = arith.constant 7 : i32
      %get3A_403 = arith.index_cast %div3A_200 : i32 to index
      %get3A_404 = arith.index_cast %rem3A_202 : i32 to index
      %get3A_405 = arith.index_cast %get3A_402 : i32 to index
      %get3A_406 = arith.constant 0 : index
      %get3A_407 = tpu.vector_load %arg11[%get3A_403, %get3A_404, %get3A_405, %get3A_406] {strides = array<i32>} : memref<4x7x8x16xf32, #tpu.memory_space<vmem>>, vector<16xf32>,
      %mul3A_408 = arith.mulf %get3A_401, %get3A_401 : vector<16xf32>
      %mul3A_409 = arith.constant 5.000000e-01 : f32
      %mul3A_410 = vector.broadcast %mul3A_409 : f32 to vector<16xf32>
      %mul3A_411 = arith.mulf %mul3A_410, %mul3A_408 : vector<16xf32>
      %mul3A_412 = arith.mulf %get3A_407, %get3A_407 : vector<16xf32>
      %mul3A_413 = arith.constant 5.000000e-01 : f32
      %mul3A_414 = vector.broadcast %mul3A_413 : f32 to vector<16xf32>
      %mul3A_415 = arith.mulf %mul3A_414, %mul3A_412 : vector<16xf32>
      %sub3A_416 = arith.subf %get3A_389, %mul3A_411 : vector<16xf32>
      %sub3A_417 = arith.subf %get3A_395, %mul3A_415 : vector<16xf32>
      %add3A_418 = arith.addf %get3A_389, %mul3A_411 : vector<16xf32>
      %add3A_419 = arith.addf %get3A_395, %mul3A_415 : vector<16xf32>
      %max3A_420 = arith.maximumf %sub3A_380, %sub3A_416 : vector<16xf32>
      %max3A_421 = arith.maximumf %sub3A_381, %sub3A_417 : vector<16xf32>
      %min3A_422 = arith.minimumf %add3A_382, %add3A_418 : vector<16xf32>
      %min3A_423 = arith.minimumf %add3A_383, %add3A_419 : vector<16xf32>
      %sub3A_424 = arith.subf %min3A_422, %max3A_420 : vector<16xf32>
      %max3A_425 = arith.constant 0.000000e+00 : f32
      %max3A_426 = vector.broadcast %max3A_425 : f32 to vector<16xf32>
      %max3A_427 = arith.maximumf %sub3A_424, %max3A_426 : vector<16xf32>
      %sub3A_428 = arith.subf %min3A_423, %max3A_421 : vector<16xf32>
      %max3A_429 = arith.constant 0.000000e+00 : f32
      %max3A_430 = vector.broadcast %max3A_429 : f32 to vector<16xf32>
      %max3A_431 = arith.maximumf %sub3A_428, %max3A_430 : vector<16xf32>
      %mul3A_432 = arith.mulf %max3A_427, %max3A_431 : vector<16xf32>
      %sub3A_433 = arith.subf %add3A_382, %sub3A_380 : vector<16xf32>
      %sub3A_434 = arith.subf %add3A_383, %sub3A_381 : vector<16xf32>
      %mul3A_435 = arith.mulf %sub3A_433, %sub3A_434 : vector<16xf32>
      %sub3A_436 = arith.subf %add3A_418, %sub3A_416 : vector<16xf32>
      %sub3A_437 = arith.subf %add3A_419, %sub3A_417 : vector<16xf32>
      %mul3A_438 = arith.mulf %sub3A_436, %sub3A_437 : vector<16xf32>
      %add3A_439 = arith.addf %mul3A_435, %mul3A_438 : vector<16xf32>
      %sub3A_440 = arith.subf %add3A_439, %mul3A_432 : vector<16xf32>
      %div3A_441 = arith.divf %mul3A_432, %sub3A_440 : vector<16xf32>
      %jit3A_442 = arith.constant 0.000000e+00 : f32
      %broadcast_in_dim3A_443 = vector.broadcast %jit3A_442 : f32 to vector<16xf32>
      %select_n3A_444 = arith.select %gt3A_229, %div3A_441, %broadcast_in_dim3A_443 : vector<16xi1>, vector<16xf32>
      %max3A_445 = arith.maximumf %select_n3A_347, %select_n3A_444 : vector<16xf32>
      %gt3A_446 = arith.cmpf ogt, %select_n3A_444, %select_n3A_347 : vector<16xf32>
      %get3A_447 = arith.constant 0 : i32
      %get3A_448 = arith.index_cast %div3A_200 : i32 to index
      %get3A_449 = arith.index_cast %rem3A_202 : i32 to index
      %get3A_450 = arith.index_cast %get3A_447 : i32 to index
      %get3A_451 = arith.constant 0 : index
      %get3A_452 = tpu.vector_load %arg11[%get3A_448, %get3A_449, %get3A_450, %get3A_451] {strides = array<i32>} : memref<4x7x8x16xf32, #tpu.memory_space<vmem>>, vector<16xf32>,
      %get3A_453 = arith.constant 4 : i32
      %get3A_454 = arith.index_cast %div3A_200 : i32 to index
      %get3A_455 = arith.index_cast %rem3A_202 : i32 to index
      %get3A_456 = arith.index_cast %get3A_453 : i32 to index
      %get3A_457 = arith.constant 0 : index
      %get3A_458 = tpu.vector_load %arg11[%get3A_454, %get3A_455, %get3A_456, %get3A_457] {strides = array<i32>} : memref<4x7x8x16xf32, #tpu.memory_space<vmem>>, vector<16xf32>,
      %select_n3A_459 = arith.select %gt3A_446, %get3A_458, %get3A_452 : vector<16xi1>, vector<16xf32>
      %get3A_460 = arith.constant 0 : i32
      %get3A_461 = arith.index_cast %div3A_200 : i32 to index
      %get3A_462 = arith.index_cast %rem3A_202 : i32 to index
      %get3A_463 = arith.index_cast %get3A_460 : i32 to index
      %get3A_464 = arith.constant 0 : index
      %get3A_465 = tpu.vector_load %arg12[%get3A_461, %get3A_462, %get3A_463, %get3A_464] {strides = array<i32>} : memref<4x7x8x16xf32, #tpu.memory_space<vmem>>, vector<16xf32>,
      %get3A_466 = arith.constant 4 : i32
      %get3A_467 = arith.index_cast %div3A_200 : i32 to index
      %get3A_468 = arith.index_cast %rem3A_202 : i32 to index
      %get3A_469 = arith.index_cast %get3A_466 : i32 to index
      %get3A_470 = arith.constant 0 : index
      %get3A_471 = tpu.vector_load %arg12[%get3A_467, %get3A_468, %get3A_469, %get3A_470] {strides = array<i32>} : memref<4x7x8x16xf32, #tpu.memory_space<vmem>>, vector<16xf32>,
      %select_n3A_472 = arith.select %gt3A_446, %get3A_471, %get3A_465 : vector<16xi1>, vector<16xf32>
      %sub3A_473 = arith.subf %select_n3A_459, %select_n3A_472 : vector<16xf32>
      %mul3A_474 = arith.mulf %sub3A_473, %sub3A_473 : vector<16xf32>
      %add3A_475 = arith.addf %broadcast_in_dim3A_13, %mul3A_474 : vector<16xf32>
      %get3A_476 = arith.constant 1 : i32
      %get3A_477 = arith.index_cast %div3A_200 : i32 to index
      %get3A_478 = arith.index_cast %rem3A_202 : i32 to index
      %get3A_479 = arith.index_cast %get3A_476 : i32 to index
      %get3A_480 = arith.constant 0 : index
      %get3A_481 = tpu.vector_load %arg11[%get3A_477, %get3A_478, %get3A_479, %get3A_480] {strides = array<i32>} : memref<4x7x8x16xf32, #tpu.memory_space<vmem>>, vector<16xf32>,
      %get3A_482 = arith.constant 5 : i32
      %get3A_483 = arith.index_cast %div3A_200 : i32 to index
      %get3A_484 = arith.index_cast %rem3A_202 : i32 to index
      %get3A_485 = arith.index_cast %get3A_482 : i32 to index
      %get3A_486 = arith.constant 0 : index
      %get3A_487 = tpu.vector_load %arg11[%get3A_483, %get3A_484, %get3A_485, %get3A_486] {strides = array<i32>} : memref<4x7x8x16xf32, #tpu.memory_space<vmem>>, vector<16xf32>,
      %select_n3A_488 = arith.select %gt3A_446, %get3A_487, %get3A_481 : vector<16xi1>, vector<16xf32>
      %get3A_489 = arith.constant 1 : i32
      %get3A_490 = arith.index_cast %div3A_200 : i32 to index
      %get3A_491 = arith.index_cast %rem3A_202 : i32 to index
      %get3A_492 = arith.index_cast %get3A_489 : i32 to index
      %get3A_493 = arith.constant 0 : index
      %get3A_494 = tpu.vector_load %arg12[%get3A_490, %get3A_491, %get3A_492, %get3A_493] {strides = array<i32>} : memref<4x7x8x16xf32, #tpu.memory_space<vmem>>, vector<16xf32>,
      %get3A_495 = arith.constant 5 : i32
      %get3A_496 = arith.index_cast %div3A_200 : i32 to index
      %get3A_497 = arith.index_cast %rem3A_202 : i32 to index
      %get3A_498 = arith.index_cast %get3A_495 : i32 to index
      %get3A_499 = arith.constant 0 : index
      %get3A_500 = tpu.vector_load %arg12[%get3A_496, %get3A_497, %get3A_498, %get3A_499] {strides = array<i32>} : memref<4x7x8x16xf32, #tpu.memory_space<vmem>>, vector<16xf32>,
      %select_n3A_501 = arith.select %gt3A_446, %get3A_500, %get3A_494 : vector<16xi1>, vector<16xf32>
      %sub3A_502 = arith.subf %select_n3A_488, %select_n3A_501 : vector<16xf32>
      %mul3A_503 = arith.mulf %sub3A_502, %sub3A_502 : vector<16xf32>
      %add3A_504 = arith.addf %add3A_475, %mul3A_503 : vector<16xf32>
      %get3A_505 = arith.constant 2 : i32
      %get3A_506 = arith.index_cast %div3A_200 : i32 to index
      %get3A_507 = arith.index_cast %rem3A_202 : i32 to index
      %get3A_508 = arith.index_cast %get3A_505 : i32 to index
      %get3A_509 = arith.constant 0 : index
      %get3A_510 = tpu.vector_load %arg11[%get3A_506, %get3A_507, %get3A_508, %get3A_509] {strides = array<i32>} : memref<4x7x8x16xf32, #tpu.memory_space<vmem>>, vector<16xf32>,
      %get3A_511 = arith.constant 6 : i32
      %get3A_512 = arith.index_cast %div3A_200 : i32 to index
      %get3A_513 = arith.index_cast %rem3A_202 : i32 to index
      %get3A_514 = arith.index_cast %get3A_511 : i32 to index
      %get3A_515 = arith.constant 0 : index
      %get3A_516 = tpu.vector_load %arg11[%get3A_512, %get3A_513, %get3A_514, %get3A_515] {strides = array<i32>} : memref<4x7x8x16xf32, #tpu.memory_space<vmem>>, vector<16xf32>,
      %select_n3A_517 = arith.select %gt3A_446, %get3A_516, %get3A_510 : vector<16xi1>, vector<16xf32>
      %get3A_518 = arith.constant 2 : i32
      %get3A_519 = arith.index_cast %div3A_200 : i32 to index
      %get3A_520 = arith.index_cast %rem3A_202 : i32 to index
      %get3A_521 = arith.index_cast %get3A_518 : i32 to index
      %get3A_522 = arith.constant 0 : index
      %get3A_523 = tpu.vector_load %arg12[%get3A_519, %get3A_520, %get3A_521, %get3A_522] {strides = array<i32>} : memref<4x7x8x16xf32, #tpu.memory_space<vmem>>, vector<16xf32>,
      %get3A_524 = arith.constant 6 : i32
      %get3A_525 = arith.index_cast %div3A_200 : i32 to index
      %get3A_526 = arith.index_cast %rem3A_202 : i32 to index
      %get3A_527 = arith.index_cast %get3A_524 : i32 to index
      %get3A_528 = arith.constant 0 : index
      %get3A_529 = tpu.vector_load %arg12[%get3A_525, %get3A_526, %get3A_527, %get3A_528] {strides = array<i32>} : memref<4x7x8x16xf32, #tpu.memory_space<vmem>>, vector<16xf32>,
      %select_n3A_530 = arith.select %gt3A_446, %get3A_529, %get3A_523 : vector<16xi1>, vector<16xf32>
      %sub3A_531 = arith.subf %select_n3A_517, %select_n3A_530 : vector<16xf32>
      %mul3A_532 = arith.mulf %sub3A_531, %sub3A_531 : vector<16xf32>
      %add3A_533 = arith.addf %add3A_504, %mul3A_532 : vector<16xf32>
      %get3A_534 = arith.constant 3 : i32
      %get3A_535 = arith.index_cast %div3A_200 : i32 to index
      %get3A_536 = arith.index_cast %rem3A_202 : i32 to index
      %get3A_537 = arith.index_cast %get3A_534 : i32 to index
      %get3A_538 = arith.constant 0 : index
      %get3A_539 = tpu.vector_load %arg11[%get3A_535, %get3A_536, %get3A_537, %get3A_538] {strides = array<i32>} : memref<4x7x8x16xf32, #tpu.memory_space<vmem>>, vector<16xf32>,
      %get3A_540 = arith.constant 7 : i32
      %get3A_541 = arith.index_cast %div3A_200 : i32 to index
      %get3A_542 = arith.index_cast %rem3A_202 : i32 to index
      %get3A_543 = arith.index_cast %get3A_540 : i32 to index
      %get3A_544 = arith.constant 0 : index
      %get3A_545 = tpu.vector_load %arg11[%get3A_541, %get3A_542, %get3A_543, %get3A_544] {strides = array<i32>} : memref<4x7x8x16xf32, #tpu.memory_space<vmem>>, vector<16xf32>,
      %select_n3A_546 = arith.select %gt3A_446, %get3A_545, %get3A_539 : vector<16xi1>, vector<16xf32>
      %get3A_547 = arith.constant 3 : i32
      %get3A_548 = arith.index_cast %div3A_200 : i32 to index
      %get3A_549 = arith.index_cast %rem3A_202 : i32 to index
      %get3A_550 = arith.index_cast %get3A_547 : i32 to index
      %get3A_551 = arith.constant 0 : index
      %get3A_552 = tpu.vector_load %arg12[%get3A_548, %get3A_549, %get3A_550, %get3A_551] {strides = array<i32>} : memref<4x7x8x16xf32, #tpu.memory_space<vmem>>, vector<16xf32>,
      %get3A_553 = arith.constant 7 : i32
      %get3A_554 = arith.index_cast %div3A_200 : i32 to index
      %get3A_555 = arith.index_cast %rem3A_202 : i32 to index
      %get3A_556 = arith.index_cast %get3A_553 : i32 to index
      %get3A_557 = arith.constant 0 : index
      %get3A_558 = tpu.vector_load %arg12[%get3A_554, %get3A_555, %get3A_556, %get3A_557] {strides = array<i32>} : memref<4x7x8x16xf32, #tpu.memory_space<vmem>>, vector<16xf32>,
      %select_n3A_559 = arith.select %gt3A_446, %get3A_558, %get3A_552 : vector<16xi1>, vector<16xf32>
      %sub3A_560 = arith.subf %select_n3A_546, %select_n3A_559 : vector<16xf32>
      %mul3A_561 = arith.mulf %sub3A_560, %sub3A_560 : vector<16xf32>
      %add3A_562 = arith.addf %add3A_533, %mul3A_561 : vector<16xf32>
      %mul3A_563 = arith.mulf %select_n3A_226, %add3A_562 : vector<16xf32>
      %add3A_564 = arith.addf %scan3A_196, %mul3A_563 : vector<16xf32>
      %select_n3A_565 = arith.select %gt3A_446, %get3A_253, %get3A_247 : vector<16xi1>, vector<16xf32>
      %sub3A_566 = arith.subf %select_n3A_565, %max3A_445 : vector<16xf32>
      %select_n3A_567 = arith.select %gt3A_446, %get3A_241, %get3A_235 : vector<16xi1>, vector<16xf32>
      %sub3A_568 = arith.subf %max3A_445, %select_n3A_567 : vector<16xf32>
      %mul3A_569 = arith.mulf %sub3A_566, %sub3A_566 : vector<16xf32>
      %mul3A_570 = arith.mulf %select_n3A_226, %mul3A_569 : vector<16xf32>
      %add3A_571 = arith.addf %scan3A_197, %mul3A_570 : vector<16xf32>
      %mul3A_572 = arith.mulf %sub3A_568, %sub3A_568 : vector<16xf32>
      %mul3A_573 = arith.mulf %select_n3A_226, %mul3A_572 : vector<16xf32>
      %add3A_574 = arith.addf %scan3A_198, %mul3A_573 : vector<16xf32>
      %sub3A_575 = vector.broadcast %select_n3A_214 : f32 to vector<16xf32>
      %sub3A_576 = arith.subf %sub3A_575, %select_n3A_226 : vector<16xf32>
      %sub3A_577 = arith.subf %get3A_247, %get3A_235 : vector<16xf32>
      %sub3A_578 = arith.subf %get3A_253, %get3A_241 : vector<16xf32>
      %mul3A_579 = arith.mulf %sub3A_577, %sub3A_577 : vector<16xf32>
      %mul3A_580 = arith.mulf %sub3A_578, %sub3A_578 : vector<16xf32>
      %add3A_581 = arith.addf %mul3A_579, %mul3A_580 : vector<16xf32>
      %mul3A_582 = arith.mulf %sub3A_576, %add3A_581 : vector<16xf32>
      %add3A_583 = arith.addf %scan3A_195, %mul3A_582 : vector<16xf32>
      scf.yield %add3A_583, %add3A_564, %add3A_571, %add3A_574 : vector<16xf32>, vector<16xf32>, vector<16xf32>, vector<16xf32>
    }
    %scan3A_103 = arith.constant 28 : i32
    %dma_wait3A_104 = arith.constant 0 : i32
    %dma_wait3A_105 = arith.constant 0 : i32
    %dma_wait3A_106 = arith.constant 0 : i32
    %dma_wait3A_107 = tpu.memref_slice %arg2[%dma_wait3A_104, %mul3A_12, %dma_wait3A_105, %dma_wait3A_106, %mul3A_4] : memref<2x7x20x7x256xf32, #tpu.memory_space<hbm>> -> memref<1x4x20x7x16xf32, #tpu.memory_space<hbm>>
    %dma_wait3A_108 = tpu.memref_squeeze %dma_wait3A_107 : memref<1x4x20x7x16xf32, #tpu.memory_space<hbm>> -> memref<4x20x7x16xf32, #tpu.memory_space<hbm>>
    %dma_wait3A_109 = arith.constant 0 : i32
    %dma_wait3A_110 = arith.constant 0 : i32
    %dma_wait3A_111 = tpu.memref_slice %arg2[%dma_wait3A_104, %mul3A_12, %dma_wait3A_109, %dma_wait3A_110, %mul3A_4] : memref<2x7x20x7x256xf32, #tpu.memory_space<hbm>> -> memref<1x4x20x7x16xf32, #tpu.memory_space<hbm>>
    %dma_wait3A_112 = tpu.memref_squeeze %dma_wait3A_111 : memref<1x4x20x7x16xf32, #tpu.memory_space<hbm>> -> memref<4x20x7x16xf32, #tpu.memory_space<hbm>>
    tpu.wait_dma2 semaphore(%arg15 : memref<!tpu.dma_semaphore, #tpu.memory_space<semaphore_mem>>) src(%dma_wait3A_112 : memref<4x20x7x16xf32, #tpu.memory_space<hbm>>) dst(%arg7 : memref<4x20x7x16xf32, #tpu.memory_space<vmem>>)
    %dma_wait3A_113 = arith.constant 1 : i32
    %dma_wait3A_114 = arith.constant 0 : i32
    %dma_wait3A_115 = arith.constant 0 : i32
    %dma_wait3A_116 = tpu.memref_slice %arg2[%dma_wait3A_113, %mul3A_12, %dma_wait3A_114, %dma_wait3A_115, %mul3A_4] : memref<2x7x20x7x256xf32, #tpu.memory_space<hbm>> -> memref<1x4x20x7x16xf32, #tpu.memory_space<hbm>>
    %dma_wait3A_117 = tpu.memref_squeeze %dma_wait3A_116 : memref<1x4x20x7x16xf32, #tpu.memory_space<hbm>> -> memref<4x20x7x16xf32, #tpu.memory_space<hbm>>
    %dma_wait3A_118 = arith.constant 0 : i32
    %dma_wait3A_119 = arith.constant 0 : i32
    %dma_wait3A_120 = tpu.memref_slice %arg2[%dma_wait3A_113, %mul3A_12, %dma_wait3A_118, %dma_wait3A_119, %mul3A_4] : memref<2x7x20x7x256xf32, #tpu.memory_space<hbm>> -> memref<1x4x20x7x16xf32, #tpu.memory_space<hbm>>
    %dma_wait3A_121 = tpu.memref_squeeze %dma_wait3A_120 : memref<1x4x20x7x16xf32, #tpu.memory_space<hbm>> -> memref<4x20x7x16xf32, #tpu.memory_space<hbm>>
    tpu.wait_dma2 semaphore(%arg15 : memref<!tpu.dma_semaphore, #tpu.memory_space<semaphore_mem>>) src(%dma_wait3A_121 : memref<4x20x7x16xf32, #tpu.memory_space<hbm>>) dst(%arg8 : memref<4x20x7x16xf32, #tpu.memory_space<vmem>>)
    %scan3A_122 = arith.constant 0 : i32
    %scan3A_123 = arith.constant 28 : i32
    %scan3A_124 = arith.addi %scan3A_122, %scan3A_123 : i32
    %scan3A_125 = arith.constant 1 : i32
    %scan3A_126 = scf.for %scan3A_194 = %scan3A_122 to %scan3A_124 step %scan3A_125 iter_args(%scan3A_195 = %broadcast_in_dim3A_13) -> (vector<16xf32>)  : i32 {
      %div3A_196 = arith.constant 7 : i32
      %div3A_197 = arith.divsi %scan3A_194, %div3A_196 : i32
      %rem3A_198 = arith.constant 7 : i32
      %rem3A_199 = arith.remsi %scan3A_194, %rem3A_198 : i32
      %eq3A_200 = arith.constant 0 : i32
      %eq3A_201 = arith.cmpi eq, %div3A_197, %eq3A_200 : i32
      %eq3A_202 = arith.constant 3 : i32
      %eq3A_203 = arith.cmpi eq, %div3A_197, %eq3A_202 : i32
      %select_n3A_204 = arith.select %gt3A_98, %eq3A_201, %eq3A_203 : i1
      %ge3A = arith.constant 4 : i32
      %ge3A_205 = arith.cmpi sge, %rem3A_199, %ge3A : i32
      %lt3A = arith.constant 4 : i32
      %lt3A_206 = arith.cmpi slt, %rem3A_199, %lt3A : i32
      %select_n3A_207 = arith.select %gt3A_98, %ge3A_205, %lt3A_206 : i1
      %not3A = arith.constant true
      %not3A_208 = arith.xori %select_n3A_207, %not3A : i1
      %and3A = arith.andi %select_n3A_204, %not3A_208 : i1
      %jit3A_209 = arith.constant 0.000000e+00 : f32
      %jit3A_210 = arith.constant 1.000000e+00 : f32
      %select_n3A_211 = arith.select %and3A, %jit3A_209, %jit3A_210 : f32
      %get3A = arith.constant 0 : i32
      %get3A_212 = arith.index_cast %div3A_197 : i32 to index
      %get3A_213 = arith.index_cast %rem3A_199 : i32 to index
      %get3A_214 = arith.index_cast %get3A : i32 to index
      %get3A_215 = arith.constant 0 : index
      %get3A_216 = tpu.vector_load %arg10[%get3A_212, %get3A_213, %get3A_214, %get3A_215] {strides = array<i32>} : memref<4x7x2x16xf32, #tpu.memory_space<vmem>>, vector<16xf32>,
      %gt3A_217 = arith.constant 0.000000e+00 : f32
      %gt3A_218 = vector.broadcast %gt3A_217 : f32 to vector<16xf32>
      %gt3A_219 = arith.cmpf ogt, %get3A_216, %gt3A_218 : vector<16xf32>
      %jit3A_220 = arith.constant 0.000000e+00 : f32
      %broadcast_in_dim3A_221 = vector.broadcast %select_n3A_211 : f32 to vector<16xf32>
      %broadcast_in_dim3A_222 = vector.broadcast %jit3A_220 : f32 to vector<16xf32>
      %select_n3A_223 = arith.select %gt3A_219, %broadcast_in_dim3A_221, %broadcast_in_dim3A_222 : vector<16xi1>, vector<16xf32>
      %get3A_224 = arith.constant 0 : i32
      %get3A_225 = arith.index_cast %div3A_197 : i32 to index
      %get3A_226 = arith.index_cast %get3A_224 : i32 to index
      %get3A_227 = arith.index_cast %rem3A_199 : i32 to index
      %get3A_228 = arith.constant 0 : index
      %get3A_229 = tpu.vector_load %arg7[%get3A_225, %get3A_226, %get3A_227, %get3A_228] {strides = array<i32>} : memref<4x20x7x16xf32, #tpu.memory_space<vmem>>, vector<16xf32>,
      %get3A_230 = arith.constant 0 : i32
      %get3A_231 = arith.index_cast %div3A_197 : i32 to index
      %get3A_232 = arith.index_cast %get3A_230 : i32 to index
      %get3A_233 = arith.index_cast %rem3A_199 : i32 to index
      %get3A_234 = arith.constant 0 : index
      %get3A_235 = tpu.vector_load %arg8[%get3A_231, %get3A_232, %get3A_233, %get3A_234] {strides = array<i32>} : memref<4x20x7x16xf32, #tpu.memory_space<vmem>>, vector<16xf32>,
      %sub3A = arith.subf %get3A_229, %get3A_235 : vector<16xf32>
      %mul3A_236 = arith.mulf %sub3A, %sub3A : vector<16xf32>
      %add3A_237 = arith.addf %broadcast_in_dim3A_13, %mul3A_236 : vector<16xf32>
      %get3A_238 = arith.constant 1 : i32
      %get3A_239 = arith.index_cast %div3A_197 : i32 to index
      %get3A_240 = arith.index_cast %get3A_238 : i32 to index
      %get3A_241 = arith.index_cast %rem3A_199 : i32 to index
      %get3A_242 = arith.constant 0 : index
      %get3A_243 = tpu.vector_load %arg7[%get3A_239, %get3A_240, %get3A_241, %get3A_242] {strides = array<i32>} : memref<4x20x7x16xf32, #tpu.memory_space<vmem>>, vector<16xf32>,
      %get3A_244 = arith.constant 1 : i32
      %get3A_245 = arith.index_cast %div3A_197 : i32 to index
      %get3A_246 = arith.index_cast %get3A_244 : i32 to index
      %get3A_247 = arith.index_cast %rem3A_199 : i32 to index
      %get3A_248 = arith.constant 0 : index
      %get3A_249 = tpu.vector_load %arg8[%get3A_245, %get3A_246, %get3A_247, %get3A_248] {strides = array<i32>} : memref<4x20x7x16xf32, #tpu.memory_space<vmem>>, vector<16xf32>,
      %sub3A_250 = arith.subf %get3A_243, %get3A_249 : vector<16xf32>
      %mul3A_251 = arith.mulf %sub3A_250, %sub3A_250 : vector<16xf32>
      %add3A_252 = arith.addf %add3A_237, %mul3A_251 : vector<16xf32>
      %get3A_253 = arith.constant 2 : i32
      %get3A_254 = arith.index_cast %div3A_197 : i32 to index
      %get3A_255 = arith.index_cast %get3A_253 : i32 to index
      %get3A_256 = arith.index_cast %rem3A_199 : i32 to index
      %get3A_257 = arith.constant 0 : index
      %get3A_258 = tpu.vector_load %arg7[%get3A_254, %get3A_255, %get3A_256, %get3A_257] {strides = array<i32>} : memref<4x20x7x16xf32, #tpu.memory_space<vmem>>, vector<16xf32>,
      %get3A_259 = arith.constant 2 : i32
      %get3A_260 = arith.index_cast %div3A_197 : i32 to index
      %get3A_261 = arith.index_cast %get3A_259 : i32 to index
      %get3A_262 = arith.index_cast %rem3A_199 : i32 to index
      %get3A_263 = arith.constant 0 : index
      %get3A_264 = tpu.vector_load %arg8[%get3A_260, %get3A_261, %get3A_262, %get3A_263] {strides = array<i32>} : memref<4x20x7x16xf32, #tpu.memory_space<vmem>>, vector<16xf32>,
      %sub3A_265 = arith.subf %get3A_258, %get3A_264 : vector<16xf32>
      %mul3A_266 = arith.mulf %sub3A_265, %sub3A_265 : vector<16xf32>
      %add3A_267 = arith.addf %add3A_252, %mul3A_266 : vector<16xf32>
      %get3A_268 = arith.constant 3 : i32
      %get3A_269 = arith.index_cast %div3A_197 : i32 to index
      %get3A_270 = arith.index_cast %get3A_268 : i32 to index
      %get3A_271 = arith.index_cast %rem3A_199 : i32 to index
      %get3A_272 = arith.constant 0 : index
      %get3A_273 = tpu.vector_load %arg7[%get3A_269, %get3A_270, %get3A_271, %get3A_272] {strides = array<i32>} : memref<4x20x7x16xf32, #tpu.memory_space<vmem>>, vector<16xf32>,
      %get3A_274 = arith.constant 3 : i32
      %get3A_275 = arith.index_cast %div3A_197 : i32 to index
      %get3A_276 = arith.index_cast %get3A_274 : i32 to index
      %get3A_277 = arith.index_cast %rem3A_199 : i32 to index
      %get3A_278 = arith.constant 0 : index
      %get3A_279 = tpu.vector_load %arg8[%get3A_275, %get3A_276, %get3A_277, %get3A_278] {strides = array<i32>} : memref<4x20x7x16xf32, #tpu.memory_space<vmem>>, vector<16xf32>,
      %sub3A_280 = arith.subf %get3A_273, %get3A_279 : vector<16xf32>
      %mul3A_281 = arith.mulf %sub3A_280, %sub3A_280 : vector<16xf32>
      %add3A_282 = arith.addf %add3A_267, %mul3A_281 : vector<16xf32>
      %get3A_283 = arith.constant 4 : i32
      %get3A_284 = arith.index_cast %div3A_197 : i32 to index
      %get3A_285 = arith.index_cast %get3A_283 : i32 to index
      %get3A_286 = arith.index_cast %rem3A_199 : i32 to index
      %get3A_287 = arith.constant 0 : index
      %get3A_288 = tpu.vector_load %arg7[%get3A_284, %get3A_285, %get3A_286, %get3A_287] {strides = array<i32>} : memref<4x20x7x16xf32, #tpu.memory_space<vmem>>, vector<16xf32>,
      %get3A_289 = arith.constant 4 : i32
      %get3A_290 = arith.index_cast %div3A_197 : i32 to index
      %get3A_291 = arith.index_cast %get3A_289 : i32 to index
      %get3A_292 = arith.index_cast %rem3A_199 : i32 to index
      %get3A_293 = arith.constant 0 : index
      %get3A_294 = tpu.vector_load %arg8[%get3A_290, %get3A_291, %get3A_292, %get3A_293] {strides = array<i32>} : memref<4x20x7x16xf32, #tpu.memory_space<vmem>>, vector<16xf32>,
      %sub3A_295 = arith.subf %get3A_288, %get3A_294 : vector<16xf32>
      %mul3A_296 = arith.mulf %sub3A_295, %sub3A_295 : vector<16xf32>
      %add3A_297 = arith.addf %add3A_282, %mul3A_296 : vector<16xf32>
      %get3A_298 = arith.constant 5 : i32
      %get3A_299 = arith.index_cast %div3A_197 : i32 to index
      %get3A_300 = arith.index_cast %get3A_298 : i32 to index
      %get3A_301 = arith.index_cast %rem3A_199 : i32 to index
      %get3A_302 = arith.constant 0 : index
      %get3A_303 = tpu.vector_load %arg7[%get3A_299, %get3A_300, %get3A_301, %get3A_302] {strides = array<i32>} : memref<4x20x7x16xf32, #tpu.memory_space<vmem>>, vector<16xf32>,
      %get3A_304 = arith.constant 5 : i32
      %get3A_305 = arith.index_cast %div3A_197 : i32 to index
      %get3A_306 = arith.index_cast %get3A_304 : i32 to index
      %get3A_307 = arith.index_cast %rem3A_199 : i32 to index
      %get3A_308 = arith.constant 0 : index
      %get3A_309 = tpu.vector_load %arg8[%get3A_305, %get3A_306, %get3A_307, %get3A_308] {strides = array<i32>} : memref<4x20x7x16xf32, #tpu.memory_space<vmem>>, vector<16xf32>,
      %sub3A_310 = arith.subf %get3A_303, %get3A_309 : vector<16xf32>
      %mul3A_311 = arith.mulf %sub3A_310, %sub3A_310 : vector<16xf32>
      %add3A_312 = arith.addf %add3A_297, %mul3A_311 : vector<16xf32>
      %get3A_313 = arith.constant 6 : i32
      %get3A_314 = arith.index_cast %div3A_197 : i32 to index
      %get3A_315 = arith.index_cast %get3A_313 : i32 to index
      %get3A_316 = arith.index_cast %rem3A_199 : i32 to index
      %get3A_317 = arith.constant 0 : index
      %get3A_318 = tpu.vector_load %arg7[%get3A_314, %get3A_315, %get3A_316, %get3A_317] {strides = array<i32>} : memref<4x20x7x16xf32, #tpu.memory_space<vmem>>, vector<16xf32>,
      %get3A_319 = arith.constant 6 : i32
      %get3A_320 = arith.index_cast %div3A_197 : i32 to index
      %get3A_321 = arith.index_cast %get3A_319 : i32 to index
      %get3A_322 = arith.index_cast %rem3A_199 : i32 to index
      %get3A_323 = arith.constant 0 : index
      %get3A_324 = tpu.vector_load %arg8[%get3A_320, %get3A_321, %get3A_322, %get3A_323] {strides = array<i32>} : memref<4x20x7x16xf32, #tpu.memory_space<vmem>>, vector<16xf32>,
      %sub3A_325 = arith.subf %get3A_318, %get3A_324 : vector<16xf32>
      %mul3A_326 = arith.mulf %sub3A_325, %sub3A_325 : vector<16xf32>
      %add3A_327 = arith.addf %add3A_312, %mul3A_326 : vector<16xf32>
      %get3A_328 = arith.constant 7 : i32
      %get3A_329 = arith.index_cast %div3A_197 : i32 to index
      %get3A_330 = arith.index_cast %get3A_328 : i32 to index
      %get3A_331 = arith.index_cast %rem3A_199 : i32 to index
      %get3A_332 = arith.constant 0 : index
      %get3A_333 = tpu.vector_load %arg7[%get3A_329, %get3A_330, %get3A_331, %get3A_332] {strides = array<i32>} : memref<4x20x7x16xf32, #tpu.memory_space<vmem>>, vector<16xf32>,
      %get3A_334 = arith.constant 7 : i32
      %get3A_335 = arith.index_cast %div3A_197 : i32 to index
      %get3A_336 = arith.index_cast %get3A_334 : i32 to index
      %get3A_337 = arith.index_cast %rem3A_199 : i32 to index
      %get3A_338 = arith.constant 0 : index
      %get3A_339 = tpu.vector_load %arg8[%get3A_335, %get3A_336, %get3A_337, %get3A_338] {strides = array<i32>} : memref<4x20x7x16xf32, #tpu.memory_space<vmem>>, vector<16xf32>,
      %sub3A_340 = arith.subf %get3A_333, %get3A_339 : vector<16xf32>
      %mul3A_341 = arith.mulf %sub3A_340, %sub3A_340 : vector<16xf32>
      %add3A_342 = arith.addf %add3A_327, %mul3A_341 : vector<16xf32>
      %get3A_343 = arith.constant 8 : i32
      %get3A_344 = arith.index_cast %div3A_197 : i32 to index
      %get3A_345 = arith.index_cast %get3A_343 : i32 to index
      %get3A_346 = arith.index_cast %rem3A_199 : i32 to index
      %get3A_347 = arith.constant 0 : index
      %get3A_348 = tpu.vector_load %arg7[%get3A_344, %get3A_345, %get3A_346, %get3A_347] {strides = array<i32>} : memref<4x20x7x16xf32, #tpu.memory_space<vmem>>, vector<16xf32>,
      %get3A_349 = arith.constant 8 : i32
      %get3A_350 = arith.index_cast %div3A_197 : i32 to index
      %get3A_351 = arith.index_cast %get3A_349 : i32 to index
      %get3A_352 = arith.index_cast %rem3A_199 : i32 to index
      %get3A_353 = arith.constant 0 : index
      %get3A_354 = tpu.vector_load %arg8[%get3A_350, %get3A_351, %get3A_352, %get3A_353] {strides = array<i32>} : memref<4x20x7x16xf32, #tpu.memory_space<vmem>>, vector<16xf32>,
      %sub3A_355 = arith.subf %get3A_348, %get3A_354 : vector<16xf32>
      %mul3A_356 = arith.mulf %sub3A_355, %sub3A_355 : vector<16xf32>
      %add3A_357 = arith.addf %add3A_342, %mul3A_356 : vector<16xf32>
      %get3A_358 = arith.constant 9 : i32
      %get3A_359 = arith.index_cast %div3A_197 : i32 to index
      %get3A_360 = arith.index_cast %get3A_358 : i32 to index
      %get3A_361 = arith.index_cast %rem3A_199 : i32 to index
      %get3A_362 = arith.constant 0 : index
      %get3A_363 = tpu.vector_load %arg7[%get3A_359, %get3A_360, %get3A_361, %get3A_362] {strides = array<i32>} : memref<4x20x7x16xf32, #tpu.memory_space<vmem>>, vector<16xf32>,
      %get3A_364 = arith.constant 9 : i32
      %get3A_365 = arith.index_cast %div3A_197 : i32 to index
      %get3A_366 = arith.index_cast %get3A_364 : i32 to index
      %get3A_367 = arith.index_cast %rem3A_199 : i32 to index
      %get3A_368 = arith.constant 0 : index
      %get3A_369 = tpu.vector_load %arg8[%get3A_365, %get3A_366, %get3A_367, %get3A_368] {strides = array<i32>} : memref<4x20x7x16xf32, #tpu.memory_space<vmem>>, vector<16xf32>,
      %sub3A_370 = arith.subf %get3A_363, %get3A_369 : vector<16xf32>
      %mul3A_371 = arith.mulf %sub3A_370, %sub3A_370 : vector<16xf32>
      %add3A_372 = arith.addf %add3A_357, %mul3A_371 : vector<16xf32>
      %get3A_373 = arith.constant 10 : i32
      %get3A_374 = arith.index_cast %div3A_197 : i32 to index
      %get3A_375 = arith.index_cast %get3A_373 : i32 to index
      %get3A_376 = arith.index_cast %rem3A_199 : i32 to index
      %get3A_377 = arith.constant 0 : index
      %get3A_378 = tpu.vector_load %arg7[%get3A_374, %get3A_375, %get3A_376, %get3A_377] {strides = array<i32>} : memref<4x20x7x16xf32, #tpu.memory_space<vmem>>, vector<16xf32>,
      %get3A_379 = arith.constant 10 : i32
      %get3A_380 = arith.index_cast %div3A_197 : i32 to index
      %get3A_381 = arith.index_cast %get3A_379 : i32 to index
      %get3A_382 = arith.index_cast %rem3A_199 : i32 to index
      %get3A_383 = arith.constant 0 : index
      %get3A_384 = tpu.vector_load %arg8[%get3A_380, %get3A_381, %get3A_382, %get3A_383] {strides = array<i32>} : memref<4x20x7x16xf32, #tpu.memory_space<vmem>>, vector<16xf32>,
      %sub3A_385 = arith.subf %get3A_378, %get3A_384 : vector<16xf32>
      %mul3A_386 = arith.mulf %sub3A_385, %sub3A_385 : vector<16xf32>
      %add3A_387 = arith.addf %add3A_372, %mul3A_386 : vector<16xf32>
      %get3A_388 = arith.constant 11 : i32
      %get3A_389 = arith.index_cast %div3A_197 : i32 to index
      %get3A_390 = arith.index_cast %get3A_388 : i32 to index
      %get3A_391 = arith.index_cast %rem3A_199 : i32 to index
      %get3A_392 = arith.constant 0 : index
      %get3A_393 = tpu.vector_load %arg7[%get3A_389, %get3A_390, %get3A_391, %get3A_392] {strides = array<i32>} : memref<4x20x7x16xf32, #tpu.memory_space<vmem>>, vector<16xf32>,
      %get3A_394 = arith.constant 11 : i32
      %get3A_395 = arith.index_cast %div3A_197 : i32 to index
      %get3A_396 = arith.index_cast %get3A_394 : i32 to index
      %get3A_397 = arith.index_cast %rem3A_199 : i32 to index
      %get3A_398 = arith.constant 0 : index
      %get3A_399 = tpu.vector_load %arg8[%get3A_395, %get3A_396, %get3A_397, %get3A_398] {strides = array<i32>} : memref<4x20x7x16xf32, #tpu.memory_space<vmem>>, vector<16xf32>,
      %sub3A_400 = arith.subf %get3A_393, %get3A_399 : vector<16xf32>
      %mul3A_401 = arith.mulf %sub3A_400, %sub3A_400 : vector<16xf32>
      %add3A_402 = arith.addf %add3A_387, %mul3A_401 : vector<16xf32>
      %get3A_403 = arith.constant 12 : i32
      %get3A_404 = arith.index_cast %div3A_197 : i32 to index
      %get3A_405 = arith.index_cast %get3A_403 : i32 to index
      %get3A_406 = arith.index_cast %rem3A_199 : i32 to index
      %get3A_407 = arith.constant 0 : index
      %get3A_408 = tpu.vector_load %arg7[%get3A_404, %get3A_405, %get3A_406, %get3A_407] {strides = array<i32>} : memref<4x20x7x16xf32, #tpu.memory_space<vmem>>, vector<16xf32>,
      %get3A_409 = arith.constant 12 : i32
      %get3A_410 = arith.index_cast %div3A_197 : i32 to index
      %get3A_411 = arith.index_cast %get3A_409 : i32 to index
      %get3A_412 = arith.index_cast %rem3A_199 : i32 to index
      %get3A_413 = arith.constant 0 : index
      %get3A_414 = tpu.vector_load %arg8[%get3A_410, %get3A_411, %get3A_412, %get3A_413] {strides = array<i32>} : memref<4x20x7x16xf32, #tpu.memory_space<vmem>>, vector<16xf32>,
      %sub3A_415 = arith.subf %get3A_408, %get3A_414 : vector<16xf32>
      %mul3A_416 = arith.mulf %sub3A_415, %sub3A_415 : vector<16xf32>
      %add3A_417 = arith.addf %add3A_402, %mul3A_416 : vector<16xf32>
      %get3A_418 = arith.constant 13 : i32
      %get3A_419 = arith.index_cast %div3A_197 : i32 to index
      %get3A_420 = arith.index_cast %get3A_418 : i32 to index
      %get3A_421 = arith.index_cast %rem3A_199 : i32 to index
      %get3A_422 = arith.constant 0 : index
      %get3A_423 = tpu.vector_load %arg7[%get3A_419, %get3A_420, %get3A_421, %get3A_422] {strides = array<i32>} : memref<4x20x7x16xf32, #tpu.memory_space<vmem>>, vector<16xf32>,
      %get3A_424 = arith.constant 13 : i32
      %get3A_425 = arith.index_cast %div3A_197 : i32 to index
      %get3A_426 = arith.index_cast %get3A_424 : i32 to index
      %get3A_427 = arith.index_cast %rem3A_199 : i32 to index
      %get3A_428 = arith.constant 0 : index
      %get3A_429 = tpu.vector_load %arg8[%get3A_425, %get3A_426, %get3A_427, %get3A_428] {strides = array<i32>} : memref<4x20x7x16xf32, #tpu.memory_space<vmem>>, vector<16xf32>,
      %sub3A_430 = arith.subf %get3A_423, %get3A_429 : vector<16xf32>
      %mul3A_431 = arith.mulf %sub3A_430, %sub3A_430 : vector<16xf32>
      %add3A_432 = arith.addf %add3A_417, %mul3A_431 : vector<16xf32>
      %get3A_433 = arith.constant 14 : i32
      %get3A_434 = arith.index_cast %div3A_197 : i32 to index
      %get3A_435 = arith.index_cast %get3A_433 : i32 to index
      %get3A_436 = arith.index_cast %rem3A_199 : i32 to index
      %get3A_437 = arith.constant 0 : index
      %get3A_438 = tpu.vector_load %arg7[%get3A_434, %get3A_435, %get3A_436, %get3A_437] {strides = array<i32>} : memref<4x20x7x16xf32, #tpu.memory_space<vmem>>, vector<16xf32>,
      %get3A_439 = arith.constant 14 : i32
      %get3A_440 = arith.index_cast %div3A_197 : i32 to index
      %get3A_441 = arith.index_cast %get3A_439 : i32 to index
      %get3A_442 = arith.index_cast %rem3A_199 : i32 to index
      %get3A_443 = arith.constant 0 : index
      %get3A_444 = tpu.vector_load %arg8[%get3A_440, %get3A_441, %get3A_442, %get3A_443] {strides = array<i32>} : memref<4x20x7x16xf32, #tpu.memory_space<vmem>>, vector<16xf32>,
      %sub3A_445 = arith.subf %get3A_438, %get3A_444 : vector<16xf32>
      %mul3A_446 = arith.mulf %sub3A_445, %sub3A_445 : vector<16xf32>
      %add3A_447 = arith.addf %add3A_432, %mul3A_446 : vector<16xf32>
      %get3A_448 = arith.constant 15 : i32
      %get3A_449 = arith.index_cast %div3A_197 : i32 to index
      %get3A_450 = arith.index_cast %get3A_448 : i32 to index
      %get3A_451 = arith.index_cast %rem3A_199 : i32 to index
      %get3A_452 = arith.constant 0 : index
      %get3A_453 = tpu.vector_load %arg7[%get3A_449, %get3A_450, %get3A_451, %get3A_452] {strides = array<i32>} : memref<4x20x7x16xf32, #tpu.memory_space<vmem>>, vector<16xf32>,
      %get3A_454 = arith.constant 15 : i32
      %get3A_455 = arith.index_cast %div3A_197 : i32 to index
      %get3A_456 = arith.index_cast %get3A_454 : i32 to index
      %get3A_457 = arith.index_cast %rem3A_199 : i32 to index
      %get3A_458 = arith.constant 0 : index
      %get3A_459 = tpu.vector_load %arg8[%get3A_455, %get3A_456, %get3A_457, %get3A_458] {strides = array<i32>} : memref<4x20x7x16xf32, #tpu.memory_space<vmem>>, vector<16xf32>,
      %sub3A_460 = arith.subf %get3A_453, %get3A_459 : vector<16xf32>
      %mul3A_461 = arith.mulf %sub3A_460, %sub3A_460 : vector<16xf32>
      %add3A_462 = arith.addf %add3A_447, %mul3A_461 : vector<16xf32>
      %get3A_463 = arith.constant 16 : i32
      %get3A_464 = arith.index_cast %div3A_197 : i32 to index
      %get3A_465 = arith.index_cast %get3A_463 : i32 to index
      %get3A_466 = arith.index_cast %rem3A_199 : i32 to index
      %get3A_467 = arith.constant 0 : index
      %get3A_468 = tpu.vector_load %arg7[%get3A_464, %get3A_465, %get3A_466, %get3A_467] {strides = array<i32>} : memref<4x20x7x16xf32, #tpu.memory_space<vmem>>, vector<16xf32>,
      %get3A_469 = arith.constant 16 : i32
      %get3A_470 = arith.index_cast %div3A_197 : i32 to index
      %get3A_471 = arith.index_cast %get3A_469 : i32 to index
      %get3A_472 = arith.index_cast %rem3A_199 : i32 to index
      %get3A_473 = arith.constant 0 : index
      %get3A_474 = tpu.vector_load %arg8[%get3A_470, %get3A_471, %get3A_472, %get3A_473] {strides = array<i32>} : memref<4x20x7x16xf32, #tpu.memory_space<vmem>>, vector<16xf32>,
      %sub3A_475 = arith.subf %get3A_468, %get3A_474 : vector<16xf32>
      %mul3A_476 = arith.mulf %sub3A_475, %sub3A_475 : vector<16xf32>
      %add3A_477 = arith.addf %add3A_462, %mul3A_476 : vector<16xf32>
      %get3A_478 = arith.constant 17 : i32
      %get3A_479 = arith.index_cast %div3A_197 : i32 to index
      %get3A_480 = arith.index_cast %get3A_478 : i32 to index
      %get3A_481 = arith.index_cast %rem3A_199 : i32 to index
      %get3A_482 = arith.constant 0 : index
      %get3A_483 = tpu.vector_load %arg7[%get3A_479, %get3A_480, %get3A_481, %get3A_482] {strides = array<i32>} : memref<4x20x7x16xf32, #tpu.memory_space<vmem>>, vector<16xf32>,
      %get3A_484 = arith.constant 17 : i32
      %get3A_485 = arith.index_cast %div3A_197 : i32 to index
      %get3A_486 = arith.index_cast %get3A_484 : i32 to index
      %get3A_487 = arith.index_cast %rem3A_199 : i32 to index
      %get3A_488 = arith.constant 0 : index
      %get3A_489 = tpu.vector_load %arg8[%get3A_485, %get3A_486, %get3A_487, %get3A_488] {strides = array<i32>} : memref<4x20x7x16xf32, #tpu.memory_space<vmem>>, vector<16xf32>,
      %sub3A_490 = arith.subf %get3A_483, %get3A_489 : vector<16xf32>
      %mul3A_491 = arith.mulf %sub3A_490, %sub3A_490 : vector<16xf32>
      %add3A_492 = arith.addf %add3A_477, %mul3A_491 : vector<16xf32>
      %get3A_493 = arith.constant 18 : i32
      %get3A_494 = arith.index_cast %div3A_197 : i32 to index
      %get3A_495 = arith.index_cast %get3A_493 : i32 to index
      %get3A_496 = arith.index_cast %rem3A_199 : i32 to index
      %get3A_497 = arith.constant 0 : index
      %get3A_498 = tpu.vector_load %arg7[%get3A_494, %get3A_495, %get3A_496, %get3A_497] {strides = array<i32>} : memref<4x20x7x16xf32, #tpu.memory_space<vmem>>, vector<16xf32>,
      %get3A_499 = arith.constant 18 : i32
      %get3A_500 = arith.index_cast %div3A_197 : i32 to index
      %get3A_501 = arith.index_cast %get3A_499 : i32 to index
      %get3A_502 = arith.index_cast %rem3A_199 : i32 to index
      %get3A_503 = arith.constant 0 : index
      %get3A_504 = tpu.vector_load %arg8[%get3A_500, %get3A_501, %get3A_502, %get3A_503] {strides = array<i32>} : memref<4x20x7x16xf32, #tpu.memory_space<vmem>>, vector<16xf32>,
      %sub3A_505 = arith.subf %get3A_498, %get3A_504 : vector<16xf32>
      %mul3A_506 = arith.mulf %sub3A_505, %sub3A_505 : vector<16xf32>
      %add3A_507 = arith.addf %add3A_492, %mul3A_506 : vector<16xf32>
      %get3A_508 = arith.constant 19 : i32
      %get3A_509 = arith.index_cast %div3A_197 : i32 to index
      %get3A_510 = arith.index_cast %get3A_508 : i32 to index
      %get3A_511 = arith.index_cast %rem3A_199 : i32 to index
      %get3A_512 = arith.constant 0 : index
      %get3A_513 = tpu.vector_load %arg7[%get3A_509, %get3A_510, %get3A_511, %get3A_512] {strides = array<i32>} : memref<4x20x7x16xf32, #tpu.memory_space<vmem>>, vector<16xf32>,
      %get3A_514 = arith.constant 19 : i32
      %get3A_515 = arith.index_cast %div3A_197 : i32 to index
      %get3A_516 = arith.index_cast %get3A_514 : i32 to index
      %get3A_517 = arith.index_cast %rem3A_199 : i32 to index
      %get3A_518 = arith.constant 0 : index
      %get3A_519 = tpu.vector_load %arg8[%get3A_515, %get3A_516, %get3A_517, %get3A_518] {strides = array<i32>} : memref<4x20x7x16xf32, #tpu.memory_space<vmem>>, vector<16xf32>,
      %sub3A_520 = arith.subf %get3A_513, %get3A_519 : vector<16xf32>
      %mul3A_521 = arith.mulf %sub3A_520, %sub3A_520 : vector<16xf32>
      %add3A_522 = arith.addf %add3A_507, %mul3A_521 : vector<16xf32>
      %mul3A_523 = arith.mulf %select_n3A_223, %add3A_522 : vector<16xf32>
      %add3A_524 = arith.addf %scan3A_195, %mul3A_523 : vector<16xf32>
      scf.yield %add3A_524 : vector<16xf32>
    }
    %scan3A_127 = arith.constant 28 : i32
    %reduce_sum3A = arith.constant true
    %reduce_sum3A_128 = vector.broadcast %reduce_sum3A : i1 to vector<16xi1>
    %reduce_sum3A_129 = tpu.scan <sum>, %scan3A_102#1 masked %reduce_sum3A_128 : vector<16xf32>, vector<16xi1> -> vector<16xf32>
    %reduce_sum3A_130 = vector.extract %reduce_sum3A_129[15] : f32 from vector<16xf32>
    %mul3A_131 = arith.constant 0.01953125 : f32
    %mul3A_132 = arith.mulf %mul3A_131, %reduce_sum3A_130 : f32
    %reduce_sum3A_133 = arith.constant true
    %reduce_sum3A_134 = vector.broadcast %reduce_sum3A_133 : i1 to vector<16xi1>
    %reduce_sum3A_135 = tpu.scan <sum>, %scan3A_126 masked %reduce_sum3A_134 : vector<16xf32>, vector<16xi1> -> vector<16xf32>
    %reduce_sum3A_136 = vector.extract %reduce_sum3A_135[15] : f32 from vector<16xf32>
    %mul3A_137 = arith.constant 3.906250e-03 : f32
    %mul3A_138 = arith.mulf %mul3A_137, %reduce_sum3A_136 : f32
    %reduce_sum3A_139 = arith.constant true
    %reduce_sum3A_140 = vector.broadcast %reduce_sum3A_139 : i1 to vector<16xi1>
    %reduce_sum3A_141 = tpu.scan <sum>, %scan3A_102#2 masked %reduce_sum3A_140 : vector<16xf32>, vector<16xi1> -> vector<16xf32>
    %reduce_sum3A_142 = vector.extract %reduce_sum3A_141[15] : f32 from vector<16xf32>
    %mul3A_143 = arith.constant 3.906250e-03 : f32
    %mul3A_144 = arith.mulf %mul3A_143, %reduce_sum3A_142 : f32
    %reduce_sum3A_145 = arith.constant true
    %reduce_sum3A_146 = vector.broadcast %reduce_sum3A_145 : i1 to vector<16xi1>
    %reduce_sum3A_147 = tpu.scan <sum>, %scan3A_102#0 masked %reduce_sum3A_146 : vector<16xf32>, vector<16xi1> -> vector<16xf32>
    %reduce_sum3A_148 = vector.extract %reduce_sum3A_147[15] : f32 from vector<16xf32>
    %mul3A_149 = arith.constant 0.001953125 : f32
    %mul3A_150 = arith.mulf %mul3A_149, %reduce_sum3A_148 : f32
    %reduce_sum3A_151 = arith.constant true
    %reduce_sum3A_152 = vector.broadcast %reduce_sum3A_151 : i1 to vector<16xi1>
    %reduce_sum3A_153 = tpu.scan <sum>, %scan3A_102#3 masked %reduce_sum3A_152 : vector<16xf32>, vector<16xi1> -> vector<16xf32>
    %reduce_sum3A_154 = vector.extract %reduce_sum3A_153[15] : f32 from vector<16xf32>
    %mul3A_155 = arith.constant 3.906250e-03 : f32
    %mul3A_156 = arith.mulf %mul3A_155, %reduce_sum3A_154 : f32
    %eq3A = arith.constant 0 : i32
    %eq3A_157 = vector.broadcast %eq3A : i32 to vector<16xi32>
    %eq3A_158 = arith.cmpi eq, %iota3A, %eq3A_157 : vector<16xi32>
    %jit3A = arith.constant 0.000000e+00 : f32
    %broadcast_in_dim3A_159 = vector.broadcast %mul3A_132 : f32 to vector<16xf32>
    %broadcast_in_dim3A_160 = vector.broadcast %jit3A : f32 to vector<16xf32>
    %select_n3A = arith.select %eq3A_158, %broadcast_in_dim3A_159, %broadcast_in_dim3A_160 : vector<16xi1>, vector<16xf32>
    %eq3A_161 = arith.constant 1 : i32
    %eq3A_162 = vector.broadcast %eq3A_161 : i32 to vector<16xi32>
    %eq3A_163 = arith.cmpi eq, %iota3A, %eq3A_162 : vector<16xi32>
    %jit3A_164 = arith.constant 0.000000e+00 : f32
    %broadcast_in_dim3A_165 = vector.broadcast %mul3A_138 : f32 to vector<16xf32>
    %broadcast_in_dim3A_166 = vector.broadcast %jit3A_164 : f32 to vector<16xf32>
    %select_n3A_167 = arith.select %eq3A_163, %broadcast_in_dim3A_165, %broadcast_in_dim3A_166 : vector<16xi1>, vector<16xf32>
    %add3A_168 = arith.addf %select_n3A, %select_n3A_167 : vector<16xf32>
    %eq3A_169 = arith.constant 2 : i32
    %eq3A_170 = vector.broadcast %eq3A_169 : i32 to vector<16xi32>
    %eq3A_171 = arith.cmpi eq, %iota3A, %eq3A_170 : vector<16xi32>
    %jit3A_172 = arith.constant 0.000000e+00 : f32
    %broadcast_in_dim3A_173 = vector.broadcast %mul3A_144 : f32 to vector<16xf32>
    %broadcast_in_dim3A_174 = vector.broadcast %jit3A_172 : f32 to vector<16xf32>
    %select_n3A_175 = arith.select %eq3A_171, %broadcast_in_dim3A_173, %broadcast_in_dim3A_174 : vector<16xi1>, vector<16xf32>
    %add3A_176 = arith.addf %add3A_168, %select_n3A_175 : vector<16xf32>
    %eq3A_177 = arith.constant 3 : i32
    %eq3A_178 = vector.broadcast %eq3A_177 : i32 to vector<16xi32>
    %eq3A_179 = arith.cmpi eq, %iota3A, %eq3A_178 : vector<16xi32>
    %jit3A_180 = arith.constant 0.000000e+00 : f32
    %broadcast_in_dim3A_181 = vector.broadcast %mul3A_150 : f32 to vector<16xf32>
    %broadcast_in_dim3A_182 = vector.broadcast %jit3A_180 : f32 to vector<16xf32>
    %select_n3A_183 = arith.select %eq3A_179, %broadcast_in_dim3A_181, %broadcast_in_dim3A_182 : vector<16xi1>, vector<16xf32>
    %add3A_184 = arith.addf %add3A_176, %select_n3A_183 : vector<16xf32>
    %eq3A_185 = arith.constant 4 : i32
    %eq3A_186 = vector.broadcast %eq3A_185 : i32 to vector<16xi32>
    %eq3A_187 = arith.cmpi eq, %iota3A, %eq3A_186 : vector<16xi32>
    %jit3A_188 = arith.constant 0.000000e+00 : f32
    %broadcast_in_dim3A_189 = vector.broadcast %mul3A_156 : f32 to vector<16xf32>
    %broadcast_in_dim3A_190 = vector.broadcast %jit3A_188 : f32 to vector<16xf32>
    %select_n3A_191 = arith.select %eq3A_187, %broadcast_in_dim3A_189, %broadcast_in_dim3A_190 : vector<16xi1>, vector<16xf32>
    %add3A_192 = arith.addf %add3A_184, %select_n3A_191 : vector<16xf32>
    %swap3A = arith.constant 0 : index
    %swap3A_193 = tpu.vector_load %arg13[%swap3A] {strides = array<i32>} : memref<16xf32, #tpu.memory_space<vmem>>, vector<16xf32>,
    tpu.vector_store %arg13[%swap3A], %add3A_192 {strides = array<i32>} : memref<16xf32, #tpu.memory_space<vmem>>, vector<16xf32>,
    "tpu.region"() ({
      %run_scoped3A = tpu.sem_alloc : memref<!tpu.dma_semaphore, #tpu.memory_space<semaphore_mem>>
      %dma_start3A_194 = arith.constant 0 : i32
      %dma_start3A_195 = tpu.memref_slice %arg6[%add3A, %dma_start3A_194] : memref<32x16xf32, #tpu.memory_space<hbm>> -> memref<1x16xf32, #tpu.memory_space<hbm>>
      %dma_start3A_196 = tpu.memref_squeeze %dma_start3A_195 : memref<1x16xf32, #tpu.memory_space<hbm>> -> memref<16xf32, #tpu.memory_space<hbm>>
      %dma_start3A_197 = arith.constant 0 : i32
      %dma_start3A_198 = tpu.memref_slice %arg6[%add3A, %dma_start3A_197] : memref<32x16xf32, #tpu.memory_space<hbm>> -> memref<1x16xf32, #tpu.memory_space<hbm>>
      %dma_start3A_199 = tpu.memref_squeeze %dma_start3A_198 : memref<1x16xf32, #tpu.memory_space<hbm>> -> memref<16xf32, #tpu.memory_space<hbm>>
      tpu.enqueue_dma source(%arg13 : memref<16xf32, #tpu.memory_space<vmem>>) target(%dma_start3A_199 : memref<16xf32, #tpu.memory_space<hbm>>) target_semaphore(%run_scoped3A : memref<!tpu.dma_semaphore, #tpu.memory_space<semaphore_mem>>)
      %dma_wait3A_200 = arith.constant 0 : i32
      %dma_wait3A_201 = tpu.memref_slice %arg6[%add3A, %dma_wait3A_200] : memref<32x16xf32, #tpu.memory_space<hbm>> -> memref<1x16xf32, #tpu.memory_space<hbm>>
      %dma_wait3A_202 = tpu.memref_squeeze %dma_wait3A_201 : memref<1x16xf32, #tpu.memory_space<hbm>> -> memref<16xf32, #tpu.memory_space<hbm>>
      %dma_wait3A_203 = arith.constant 0 : i32
      %dma_wait3A_204 = tpu.memref_slice %arg6[%add3A, %dma_wait3A_203] : memref<32x16xf32, #tpu.memory_space<hbm>> -> memref<1x16xf32, #tpu.memory_space<hbm>>
      %dma_wait3A_205 = tpu.memref_squeeze %dma_wait3A_204 : memref<1x16xf32, #tpu.memory_space<hbm>> -> memref<16xf32, #tpu.memory_space<hbm>>
      tpu.wait_dma2 semaphore(%run_scoped3A : memref<!tpu.dma_semaphore, #tpu.memory_space<semaphore_mem>>) src(%arg13 : memref<16xf32, #tpu.memory_space<vmem>>) dst(%dma_wait3A_205 : memref<16xf32, #tpu.memory_space<hbm>>)
      tpu.yield
    }) : () -> ()
    return
  }
}

</mosaic_0001>

<sc_bundles>
// kernel: kernel.3.cloned.1.call-start
scs
__scs_entry_jumppad:
0x0: {  	(pc) =	sbr.rel $0x88, $3  }
0x1: {  	(tag) =	ssettag $0x0;
	lr =	simm.s32 $0x1  }
0x2: {  	[smem:$0x3F9B] =	sst lr;
	_ =	strace $0xD0000000  }
0x3: {  	_ = 	snop  }
0x4: {  	_ = 	snop  }
0x5: {  	_ = 	snop  }
0x6: {  	_ = 	snop  }
0x7: {  	_ = 	snop  }
__scs_overlays_trampoline_lowered:
0x8: {  	[smem:$0x3FAA] =	sst s0  }
0x9: {  	[smem:$0x3FAB] =	sst s1  }
0xa: {  	[smem:$0x3FAC] =	sst s2  }
0xb: {  	[smem:$0x3FAD] =	sst s3  }
0xc: {  	[smem:$0x3FAE] =	sst s4  }
0xd: {  	[smem:$0x3FAF] =	sst s5  }
0xe: {  	[smem:$0x3FB0] =	sst s6  }
0xf: {  	[smem:$0x3FB1] =	sst s7  }
0x10: {  	[smem:$0x3FB2] =	sst s8  }
0x11: {  	[smem:$0x3FB3] =	sst s9;
	s0 =	simm.s32 @!p0 $0x0  }
0x12: {  	s1 =	sld [smem:$0x3F99];
	s0 =	simm.s32 @p0 $0x1  }
0x13: {  	[smem:$0x3FB4] =	sst s0;
	s0 =	simm.s32 @!p1 $0x0  }
0x14: {  	s2 =	sld [smem:$0x3F98];
	s0 =	simm.s32 @p1 $0x1  }
0x15: {  	[smem:$0x3FB5] =	sst s0;
	s0 =	simm.s32 @!p2 $0x0  }
0x16: {  	s3 =	sld [smem:$0x3FDB];
	s0 =	simm.s32 @p2 $0x1  }
0x17: {  	s4 =	simm.s32 $0x1BF5;
	[smem:$0x3FB7] =	sst s0  }
0x18: {  	s0 =	sld [smem:$0x3F9A];
	_ =	swait.ge [sflag:s4], $0x0  }
0x19: {  	s7 =	sld [smem:$0x3F9B]  }
0x1a: {  	s8 =	sadd.s32 $0xFFFFE003, lr  }
0x1b: {  	s9 =	sadd.s32 $0xFFFFFEF7, lr;
	s5 =	simm.s32 $0xFFFFFFFF;
	p2 =	slt.u32 s8, $0xFFFFF086  }
0x1c: {  	p1 =	slt.u32 s9, $0xF7A;
	s5 =	simm.s32 @!p2 $0x0  }
0x1d: {  	s5 =	simm.s32 @p1 $0x1;
	p0 =	seq.s32 s7, s2  }
0x1e: {  	s7 =	smul.u32 @!p0 $0xF7A, s2;
	p2 =	seq.s32 @!p0 s5, $0x0  }
0x1f: {  	s9 =	smul.u32 $0xF7A, s1;
	s8 =	simm.s32 @!p0 $0x1BF5;
	p2 =	por !p2, p0  }
0x20: {  	[sflag:s8] =	ssyncset.s32 @!p0 $0xFFFFF086;
	s6 =	sadd.s32 @!p0 s3, s7;
	s7 =	simm.s32 @!p0 $0x108  }
0x21: {  	s3 =	sadd.s32 s3, s9;
	s6 =	sadd.s32 @!p0 $0x88, s6;
	s7 =	simm.s32 @p2 $0x1082  }
0x22: {  	[simem:s7], [sflag:s8] =	dma.local @!p0 [hbm:s6], $0xF7A  }
0x23: {  	s9 =	sor.u32 $0xD0000000, s2;
	s6 =	simm.s32 $0x108;
	_ =	swait.ge @!p0 [sflag:s8], $0x0  }
0x24: {  	s3 =	sadd.s32 $0x88, s3;
	s6 =	simm.s32 @!p1 $0x1082;
	[sflag:s4] =	ssyncset.s32 $0xFFFFF086  }
0x25: {  	[simem:s6], [sflag:s4] =	dma.local [hbm:s3], $0xF7A  }
0x26: {  	[smem:$0x3F9B] =	sst s1;
	(tag) =	ssettag s2;
	_ =	strace s9  }
0x27: {  	s1 =	sld [smem:$0x3FAB]  }
0x28: {  	s2 =	sld [smem:$0x3FAC]  }
0x29: {  	s4 =	sld [smem:$0x3FAE]  }
0x2a: {  	p0 =	seq.s32 s5, $0x0;
	s5 =	sld [smem:$0x3FAF]  }
0x2b: {  	s6 =	sld [smem:$0x3FB0]  }
0x2c: {  	s7 =	sld [smem:$0x3FB1]  }
0x2d: {  	s3 =	simm.s32 $0x108;
	s8 =	sld [smem:$0x3FB2]  }
0x2e: {  	s3 =	simm.s32 @!p0 $0x1082;
	s9 =	sld [smem:$0x3FB3]  }
0x2f: {  	lr =	sadd.s32 s0, s3;
	s0 =	sld [smem:$0x3FAA]  }
0x30: {  	s3 =	sld [smem:$0x3FAD]  }
0x31: {  	[smem:$0x3FB6] =	sst s10  }
0x32: {  	s10 =	sld [smem:$0x3FB4];
	_ =	sdelay $0x3  }
0x33: {  	p0 =	seq.s32 s10, $0x1;
	s10 =	sld [smem:$0x3FB6];
	_ =	sdelay $0x3  }
0x34: {  	[smem:$0x3FB6] =	sst s10  }
0x35: {  	s10 =	sld [smem:$0x3FB5];
	_ =	sdelay $0x3  }
0x36: {  	p1 =	seq.s32 s10, $0x1;
	s10 =	sld [smem:$0x3FB6];
	_ =	sdelay $0x3  }
0x37: {  	[smem:$0x3FB6] =	sst s10  }
0x38: {  	s10 =	sld [smem:$0x3FB7]  }
0x39: {  	_ = 	snop;
	(pc) =	sbr.ind lr, $3  }
0x3a: {  	_ = 	snop  }
0x3b: {  	_ = 	snop  }
0x3c: {  	p2 =	seq.s32 s10, $0x1;
	s10 =	sld [smem:$0x3FB6]  }
0x3d: {  	_ =	shalt  }
0x3e: {  	_ =	shalt  }
0x3f: {  	_ =	shalt  }
0x40: {  	_ =	shalt  }
0x41: {  	_ =	shalt  }
0x42: {  	_ =	shalt  }
0x43: {  	_ =	shalt  }
0x44: {  	_ =	shalt  }
0x45: {  	_ =	shalt  }
0x46: {  	_ =	shalt  }
0x47: {  	_ =	shalt  }
0x48: {  	_ =	shalt  }
0x49: {  	_ =	shalt  }
0x4a: {  	_ =	shalt  }
0x4b: {  	_ =	shalt  }
0x4c: {  	_ =	shalt  }
0x4d: {  	_ =	shalt  }
0x4e: {  	_ =	shalt  }
0x4f: {  	_ =	shalt  }
0x50: {  	_ =	shalt  }
0x51: {  	_ =	shalt  }
0x52: {  	_ =	shalt  }
0x53: {  	_ =	shalt  }
0x54: {  	_ =	shalt  }
0x55: {  	_ =	shalt  }
0x56: {  	_ =	shalt  }
0x57: {  	_ =	shalt  }
0x58: {  	_ =	shalt  }
0x59: {  	_ =	shalt  }
0x5a: {  	_ =	shalt  }
0x5b: {  	_ =	shalt  }
0x5c: {  	_ =	shalt  }
0x5d: {  	_ =	shalt  }
0x5e: {  	_ =	shalt  }
0x5f: {  	_ =	shalt  }
0x60: {  	_ =	shalt  }
0x61: {  	_ =	shalt  }
0x62: {  	_ =	shalt  }
0x63: {  	_ =	shalt  }
0x64: {  	_ =	shalt  }
0x65: {  	_ =	shalt  }
0x66: {  	_ =	shalt  }
0x67: {  	_ =	shalt  }
0x68: {  	_ =	shalt  }
0x69: {  	_ =	shalt  }
0x6a: {  	_ =	shalt  }
0x6b: {  	_ =	shalt  }
0x6c: {  	_ =	shalt  }
0x6d: {  	_ =	shalt  }
0x6e: {  	_ =	shalt  }
0x6f: {  	_ =	shalt  }
0x70: {  	_ =	shalt  }
0x71: {  	_ =	shalt  }
0x72: {  	_ =	shalt  }
0x73: {  	_ =	shalt  }
0x74: {  	_ =	shalt  }
0x75: {  	_ =	shalt  }
0x76: {  	_ =	shalt  }
0x77: {  	_ =	shalt  }
0x78: {  	_ =	shalt  }
0x79: {  	_ =	shalt  }
0x7a: {  	_ =	shalt  }
0x7b: {  	_ =	shalt  }
0x7c: {  	_ =	shalt  }
0x7d: {  	_ =	shalt  }
0x7e: {  	_ =	shalt  }
0x7f: {  	_ =	shalt  }
0x80: {  	_ =	shalt  }
0x81: {  	_ =	shalt  }
0x82: {  	_ =	shalt  }
0x83: {  	_ =	shalt  }
0x84: {  	_ =	shalt  }
0x85: {  	_ =	shalt  }
0x86: {  	_ =	shalt  }
0x87: {  	_ =	shalt  }
.Lfunc_end0:
.L_simem_size_0:
called_computation_lowered:
.L_overlay_start_0:
0x88: {  	s2 =	sld [smem:$0x3FD9]  }
0x89: {  	s3 =	sld [smem:$0x3FFE];
	_ =	sdelay $0x1  }
0x8a: {  	s1 =	srdreg.scid  }
0x8b: {  	s0 =	sand.u32 $0x1, s1  }
0x8c: {  	s17 =	sshll.u32 s0, $0xA;
	s2 =	sadd.s32 s3, s2  }
0x8d: {  	s2 =	sadd.s32 s2, s17  }
0x8e: {  	[smem:$0x3FC2] =	sst s2  }
0x8f: {  	_ = 	snop  }
0x90: {  	s2 =	sld [smem:$0x3FC7]  }
0x91: {  	s18 =	sld [smem:$0x3FC4];
	(tm) =	ssettm $0x1  }
0x92: {  	s4 =	sld [smem:$0x3FFB];
	_ =	sdelay $0x3  }
0x93: {  	_ =	strace s4  }
0x94: {  	s4 =	sld [smem:$0x3FFC];
	_ =	sdelay $0x3  }
0x95: {  	_ =	strace s4  }
0x96: {  	s4 =	sld [smem:$0x3FFD];
	_ =	sdelay $0x3  }
0x97: {  	_ =	strace s4  }
0x98: {  	_ =	strace $0x8FFFFFFF  }
0x99: {  	s19 =	sld [smem:$0x3FDB];
	_ =	sdelay $0x1  }
0x9a: {  	s5 =	simm.s32 $_scs_section_size  }
0x9b: {  	s6 =	simm.s32 $_size__tile_overlayer_lowered;
	s7 =	simm.s32 $_tile_overlayer_lowered  }
0x9c: {  	s22 =	simm.s32 $0x1BFF;
	s21 =	sshll.u32 s7, $0x1;
	s4 =	sadd.s32 s5, s19  }
0x9d: {  	s8 =	simm.s32 $0x0;
	s20 =	sshll.u32 s6, $0x1;
	s6 =	sadd.s32 s21, s4  }
0x9e: {  	[timem:s8], [sflag:s22] =	dma.local [hbm:s6], s20  }
0x9f: {  	_ =	swait.ge [sflag:s22], s20  }
0xa0: {  	s5 =	ssub.s32 $0x0, s20;
	[sflag:s22] =	ssyncset.done $0x0  }
0xa1: {  	[sflag:s22] =	ssyncadd.s32 s5;
	_ =	sdelay $0x1  }
0xa2: {  	s23 =	simm.s32 $0x1B8B  }
0xa3: {  	_ =	swait.ge [sflag:s23], $0x1  }
0xa4: {  	[sflag:s23] =	ssyncset.done $0x0  }
0xa5: {  	s25 =	simm.s32 $0x1B8E;
	s24 =	sld [smem:$0x3FFE];
	[sflag:s23] =	ssyncadd.s32 $0xFFFFFFFF  }
0xa6: {  	s26 =	simm.s32 $execute0_lowered;
	[smem:$0x3FD2] =	sst s25  }
0xa7: {  	s6 =	sshll.u32 s26, $0x1;
	_ =	strace $0x80000046;
	[dreg:$0x1] =	wrdreg $0xFFFFFFFF  }
0xa8: {  	s28 =	simm.s32 $_size_execute0_lowered;
	s4 =	sadd.s32 s4, s6;
	[dreg:$0x0] =	wrdreg $0x0  }
0xa9: {  	s6 =	sshll.u32 s28, $0x1;
	[dreg:$0x2] =	wrdreg s4  }
0xaa: {  	[dreg:$0x3] =	wrdreg s6  }
0xab: {  	[dreg:$0x4] =	wrdreg $0xC0  }
0xac: {  	_ =	task [dreg:s8], $0x5FFFF  }
0xad: {  	[dreg:$0x1] =	wrdreg $0xFFFFFFFF  }
0xae: {  	[dreg:$0x0] =	wrdreg $0x60  }
0xaf: {  	[dreg:$0x2] =	wrdreg s24  }
0xb0: {  	[dreg:$0x3] =	wrdreg s2  }
0xb1: {  	[dreg:$0x4] =	wrdreg s18  }
0xb2: {  	[dreg:$0x5] =	wrdreg $0x9  }
0xb3: {  	_ =	task.clear_ibuf [dreg:s8], $0x6FFFF;
	_ =	strace $0x90000046  }
0xb4: {  	s29 =	simm.s32 $0x9;
	_ =	strace $0x80000048  }
0xb5: {  	_ =	swait.ge [sflag:s29], $0x1  }
0xb6: {  	[sflag:s29] =	ssyncadd.s32 $0xFFFFFFFF  }
0xb7: {  	_ =	strace $0x90000048  }
0xb8: {  	_ =	sfence  }
0xb9: {  	s30 =	sld [smem:$0x0];
	_ =	sdelay $0x2  }
0xba: {  	s31 =	sshll.u32 s1, $0xD;
	s1 =	sshrl.u32 s1, $0x2  }
0xbb: {  	s3 =	sand.u32 $0x4000, s31;
	s1 =	sadd.s32 s1, s30  }
0xbc: {  	s0 =	sor.u32 s3, s0;
	s1 =	sshll.u32 s1, $0x11  }
0xbd: {  	s0 =	sor.u32 s1, s0  }
0xbe: {  	s0 =	sadd.s32 $0x8F2B, s0  }
0xbf: {  	[sflag:s0] =	ssyncadd.remote.s32 $0x1  }
0xc0: {  	_ =	sfence.sel $0xFFFF  }
0xc1: {  	[dreg:$0x0] =	wrdreg $0xFFFFFFFF;
	(pc) =	sbr.abs _section_cstart, $3  }
0xc2: {  	[dreg:$0x1] =	wrdreg $0xFFFFFFFF  }
0xc3: {  	_ =	task.clear_ibuf [dreg:s8], $0x2FFFF;
	_ =	strace $0x9FFFFFFF  }
0xc4: {  	(tm) =	ssettm $0x7FFFFFFF  }
0xc5: {  	_ =	shalt  }
tec
execute0_lowered:
.L_overlay_start_1:
0x0: {  	(tag) =	ssettag $0x1  }
0x1: {  	s3 =	rddreg [dreg:$0x0]  }
0x2: {  	s5 =	rddreg [dreg:$0x1]  }
0x3: {  	s6 =	rddreg [dreg:$0x2]  }
0x4: {  	s2 =	srdreg.scid;
	s1 =	stileid.u32  }
0x5: {  	s0 =	rddreg [dreg:$0x3];
	s15 =	simm.s32 $0x1;
	s16 =	simm.s32 $0x2  }
0x6: {  	s17 =	simm.s32 $0x6900;
	s18 =	simm.s32 $0x3;
	s19 =	simm.s32 $0x0  }
0x7: {  	s4 =	sand.u32 $0x1, s2;
	s7 =	sshll.u32 s1, $0x1;
	s8 =	sshrl.u32 s1, $0x3  }
0x8: {  	s2 =	simm.s32 $0x0;
	p0 =	sgt.u32 s1, $0x7;
	s10 =	smul.u32 $0x1A400, s8  }
0x9: {  	s7 =	sor.u32 s4, s7;
	[smem:$0x7FF] =	sst s2;
	s12 =	smul.u32 $0x2A00, s8  }
0xa: {  	s8 =	smul.u32 $0xA800, s8;
	s4 =	ssub.s32 $0x2, s4;
	s9 =	sand.u32 $0xF, s7  }
0xb: {  	_ =	strace $0x80000047;
	s13 =	sshll.u32 s7, $0x4;
	s7 =	sshll.u32 s7, $0x1  }
0xc: {  	s29 =	sshrl.u32 s4, $0x1;
	s11 =	sshrl.u32 s9, $0x3;
	s9 =	sshll.u32 s9, $0x4  }
0xd: {  	s28 =	sand.u32 $0x70, s13;
	s30 =	sadd.s32 s7, s3;
	s13 =	simm.s32 $0x100  }
0xe: {  	s14 =	sshll.u32 s11, $0x8;
	s9 =	sor.u32 s10, s9;
	s11 =	sshll.u32 s11, $0xA  }
0xf: {  	s12 =	sor.u32 s12, s14;
	s9 =	sshrl.u32 s9, $0x3;
	s8 =	sor.u32 s8, s11  }
0x10: {  	s11 =	ssub.s32 s4, s29;
	s14 =	simm.s32 $0x2300;
	s12 =	sor.u32 s28, s12  }
0x11: {  	s9 =	sadd.s32 s9, s3;
	s8 =	sor.u32 s28, s8;
	s10 =	smax.u32 s11, $0x1  }
0x12: {  	s11 =	simm.s32 $0x10;
	s12 =	sshrl.u32 s12, $0x3;
	s31 =	sshrl.u32 s8, $0x3  }
0x13: {  	s7 =	sadd.s32 $0x600, s9;
	s8 =	sadd.s32 $0x8080, s9;
	s9 =	sadd.s32 $0x11600, s30  }
0x14: {  	vm0 =	vcmask $0x300;
	vm1 =	vcmask $0x704;
	s12 =	sadd.s32 s12, s3;
	s5 =	sadd.s32 s5, s31;
	s6 =	sadd.s32 s6, s31  }
0x15: {  	vm2 =	vcmask $0xB08;
	vm3 =	vcmask $0xF0C;
	vm4 =	vcmask $0x1310;
	s3 =	sadd.s32 $0x10840, s12;
	s4 =	sadd.s32 $0xFC00, s12;
	s12 =	simm.s32 $0x80  }
.LBB2_1:
0x16: {  	s20 =	simm.s32 $0x4980  }
0x17: {  	s21 =	simm.s32 $0x40;
	s23 =	sadd.s32 $0x0, s3;
	s22 =	simm.s32 $0x49A0  }
.LBB2_2:
0x18: {  	[tilespmem:s20], [sflag:$0x1] =	stream.strided.gather [hbm4b:s23+s11], $0x20, s12, s11, $0x38;
	[tilespmem:$0x6910] =	vst v63  }
0x19: {  	s23 =	smov.u32 s21;
	s20 =	smov.u32 s22;
	p1 =	sne.s32 s21, $0x6C0  }
.Ltmp0:
0x1a: {  	s21 =	sadd.s32 $0x40, s21;
	(pc) =	sbr.rel @p1 .LBB2_2-.Ltmp0, $2  }
0x1b: {  	_ =	sdelay $0x2  }
0x1c: {  	s22 =	sadd.s32 $0x20, s22;
	s23 =	sadd.s32 s23, s3  }
0x1d: {  	[tilespmem:s20], [sflag:$0x1] =	stream.strided.gather [hbm4b:s23+s11], $0x20, s12, s11, $0x38;
	[tilespmem:$0x6910] =	vst v63  }
0x1e: {  	s20 =	simm.s32 $0x4600  }
0x1f: {  	s21 =	simm.s32 $0x40;
	s23 =	sadd.s32 $0x0, s4;
	s22 =	simm.s32 $0x4620  }
.LBB2_4:
0x20: {  	[tilespmem:s20], [sflag:$0x1] =	stream.strided.gather [hbm4b:s23+s11], $0x20, s12, s11, $0x38;
	[tilespmem:$0x6910] =	vst v63  }
0x21: {  	s23 =	smov.u32 s21;
	s20 =	smov.u32 s22;
	p1 =	sne.s32 s21, $0x6C0  }
.Ltmp1:
0x22: {  	s21 =	sadd.s32 $0x40, s21;
	(pc) =	sbr.rel @p1 .LBB2_4-.Ltmp1, $2  }
0x23: {  	_ =	sdelay $0x2  }
0x24: {  	s22 =	sadd.s32 $0x20, s22;
	s23 =	sadd.s32 s23, s4  }
0x25: {  	[tilespmem:s20], [sflag:$0x1] =	stream.strided.gather [hbm4b:s23+s11], $0x20, s12, s11, $0x38;
	[tilespmem:$0x6910] =	vst v63  }
0x26: {  	s20 =	simm.s32 $0x4D00  }
0x27: {  	s21 =	simm.s32 $0x100;
	s23 =	sadd.s32 $0x0, s5;
	s22 =	simm.s32 $0x4D80  }
.LBB2_6:
0x28: {  	[tilespmem:s20], [sflag:$0x1] =	stream.strided.gather [hbm4b:s23+s11], $0x80, s12, s11, $0x38;
	[tilespmem:$0x6910] =	vst v63  }
0x29: {  	s23 =	smov.u32 s21;
	s20 =	smov.u32 s22;
	p1 =	sne.s32 s21, $0x1B00  }
.Ltmp2:
0x2a: {  	s21 =	sadd.s32 $0x100, s21;
	(pc) =	sbr.rel @p1 .LBB2_6-.Ltmp2, $2  }
0x2b: {  	_ =	sdelay $0x2  }
0x2c: {  	s22 =	sadd.s32 $0x80, s22;
	s23 =	sadd.s32 s23, s5  }
0x2d: {  	[tilespmem:s20], [sflag:$0x1] =	stream.strided.gather [hbm4b:s23+s11], $0x80, s12, s11, $0x38;
	[tilespmem:$0x6910] =	vst v63  }
0x2e: {  	s20 =	simm.s32 $0x5B00  }
0x2f: {  	s21 =	simm.s32 $0x100;
	s23 =	sadd.s32 $0x0, s6;
	s22 =	simm.s32 $0x5B80  }
.LBB2_8:
0x30: {  	[tilespmem:s20], [sflag:$0x1] =	stream.strided.gather [hbm4b:s23+s11], $0x80, s12, s11, $0x38;
	[tilespmem:$0x6910] =	vst v63  }
0x31: {  	s23 =	smov.u32 s21;
	s20 =	smov.u32 s22;
	p1 =	sne.s32 s21, $0x1B00  }
.Ltmp3:
0x32: {  	s21 =	sadd.s32 $0x100, s21;
	(pc) =	sbr.rel @p1 .LBB2_8-.Ltmp3, $2  }
0x33: {  	_ =	sdelay $0x2  }
0x34: {  	s22 =	sadd.s32 $0x80, s22;
	s23 =	sadd.s32 s23, s6  }
0x35: {  	[tilespmem:s20], [sflag:$0x1] =	stream.strided.gather [hbm4b:s23+s11], $0x80, s12, s11, $0x38;
	[tilespmem:$0x6910] =	vst v63  }
0x36: {  	s22 =	simm.s32 $0x0  }
0x37: {  	s20 =	smul.u32 $0x25, s22  }
0x38: {  	[tilespmem:s22], [sflag:$0x2] =	stream.strided.gather [hbm4b:s7+s11], $0x2300, s13, s11, $0x38;
	[tilespmem:$0x6910] =	vst v63  }
0x39: {  	s20 =	sshrl.u32 s20, $0x8  }
0x3a: {  	[tilespmem:s14], [sflag:$0x2] =	stream.strided.gather [hbm4b:s8+s11], $0x2300, s13, s11, $0x38;
	[tilespmem:$0x6910] =	vst v63  }
0x3b: {  	s21 =	ssub.s32 $0x0, s20;
	_ =	swait.ge [sflag:s15], $0x380  }
0x3c: {  	s21 =	sand.u32 $0xFE, s21;
	[sflag:s15] =	ssyncset.done $0x0  }
0x3d: {  	s21 =	sshrl.u32 s21, $0x1;
	[sflag:s15] =	ssyncadd.s32 $0xFFFFFC80  }
0x3e: {  	s20 =	sadd.s32 s20, s21;
	_ =	swait.ge [sflag:s15], $0x380  }
0x3f: {  	s20 =	sand.u32 $0xFC, s20;
	[sflag:s15] =	ssyncset.done $0x0  }
0x40: {  	s20 =	sshrl.u32 s20, $0x2;
	[sflag:s15] =	ssyncadd.s32 $0xFFFFFC80  }
0x41: {  	s23 =	smul.u32 $0x7, s20;
	_ =	swait.ge [sflag:s15], $0xE00  }
0x42: {  	[sflag:s15] =	ssyncset.done $0x0  }
0x43: {  	s21 =	ssub.s32 $0x0, s23;
	[sflag:s15] =	ssyncadd.s32 $0xFFFFF200  }
0x44: {  	s22 =	smul.u32 $0x380, s20;
	s21 =	sand.u32 $0xFF, s21;
	_ =	swait.ge [sflag:s15], $0xE00  }
0x45: {  	s24 =	sshll.u32 s21, $0x7;
	[sflag:s15] =	ssyncset.done $0x0  }
0x46: {  	s22 =	sadd.s32 s24, s22;
	[sflag:s15] =	ssyncadd.s32 $0xFFFFF200  }
0x47: {  	v3 =	vld [tilespmem:s22+$0x5B20]  }
0x48: {  	v0 =	vld [tilespmem:s22+$0x5B30]  }
0x49: {  	v5 =	vld [tilespmem:s22+$0x4D20]  }
0x4a: {  	v1 =	vld [tilespmem:s22+$0x4D30]  }
0x4b: {  	v6 =	vld [tilespmem:s22+$0x5B60]  }
0x4c: {  	v2 =	vld [tilespmem:s22+$0x5B70]  }
0x4d: {  	v7 =	vld [tilespmem:s22+$0x4D60]  }
0x4e: {  	v4 =	vld [tilespmem:s22+$0x4D70]  }
0x4f: {  	v9 =	vld [tilespmem:s22+$0x5B00];
	v8 =	vmul.f32 v3, v3  }
0x50: {  	v10 =	vld [tilespmem:s22+$0x5B10];
	v13 =	vmul.f32 v0, v0;
	v14 =	vmul.f32 v5, v5  }
0x51: {  	v11 =	vld [tilespmem:s22+$0x4D00];
	v16 =	vmul.f32 v1, v1;
	v17 =	vmul.f32 v6, v6  }
0x52: {  	v12 =	vld [tilespmem:s22+$0x4D10];
	v18 =	vmul.f32 v2, v2;
	v8 =	vmul.f32 $5.000000000e-01, v8  }
0x53: {  	s25 =	simm.s32 $0x1;
	v15 =	vld [tilespmem:s22+$0x5B50];
	v19 =	vmul.f32 v7, v7;
	v20 =	vmul.f32 $5.000000000e-01, v13  }
0x54: {  	s26 =	smul.u32 $0x25, s25;
	v24 =	vld [tilespmem:s22+$0x4D40];
	v21 =	vmul.f32 v4, v4;
	v14 =	vmul.f32 $5.000000000e-01, v14;
	v22 =	vsub.f32 v9, v8  }
0x55: {  	v30 =	vld [tilespmem:s22+$0x4D50];
	v16 =	vmul.f32 $5.000000000e-01, v16;
	v23 =	vsub.f32 v10, v20;
	v8 =	vadd.f32 v8, v9  }
0x56: {  	v13 =	vld [tilespmem:s22+$0x5B40];
	v18 =	vmul.f32 $5.000000000e-01, v18;
	s22 =	sshrl.u32 s26, $0x8;
	v20 =	vadd.f32 v20, v10;
	v25 =	vsub.f32 v11, v14  }
0x57: {  	v19 =	vmul.f32 $5.000000000e-01, v19;
	s28 =	ssub.s32 $0x1, s22;
	v26 =	vsub.f32 v12, v16;
	v14 =	vadd.f32 v14, v11  }
0x58: {  	v21 =	vmul.f32 $5.000000000e-01, v21;
	v16 =	vadd.f32 v16, v12;
	v28 =	vsub.f32 v15, v18;
	s23 =	sand.u32 $0xFE, s28  }
0x59: {  	v18 =	vadd.f32 v18, v15;
	v29 =	vsub.f32 v24, v19;
	s23 =	sshrl.u32 s23, $0x1  }
0x5a: {  	v17 =	vmul.f32 $5.000000000e-01, v17;
	v31 =	vsub.f32 v30, v21;
	v19 =	vadd.f32 v19, v24;
	s22 =	sadd.s32 s22, s23  }
0x5b: {  	v21 =	vadd.f32 v21, v30;
	v32 =	vmax.f32 v22, v25;
	v34 =	vmin.f32 v8, v14;
	s22 =	sand.u32 $0xFC, s22  }
0x5c: {  	v35 =	vmin.f32 v20, v16;
	v8 =	vsub.f32 v8, v22;
	v20 =	vsub.f32 v20, v23;
	s22 =	sshrl.u32 s22, $0x2  }
0x5d: {  	v33 =	vmax.f32 v23, v26;
	v14 =	vsub.f32 v14, v25;
	v16 =	vsub.f32 v16, v26;
	s29 =	smul.u32 $0x7, s22  }
0x5e: {  	v25 =	vmax.f32 v28, v31;
	v27 =	vsub.f32 v13, v17;
	v17 =	vadd.f32 v17, v13  }
0x5f: {  	s24 =	smul.u32 $0xE0, s20;
	v26 =	vsub.f32 v18, v28;
	v18 =	vmin.f32 v18, v21;
	v28 =	vsub.f32 v34, v32;
	s23 =	ssub.s32 $0x1, s29  }
0x60: {  	v18 =	vsub.f32 v18, v25;
	v22 =	vmax.f32 v27, v29;
	v23 =	vsub.f32 v17, v27;
	s30 =	smul.u32 $0x380, s22;
	s20 =	sand.u32 $0xFF, s23  }
0x61: {  	v17 =	vmin.f32 v17, v19;
	v19 =	vsub.f32 v19, v29;
	v27 =	vsub.f32 v21, v31;
	s26 =	sshll.u32 s20, $0x7  }
0x62: {  	v16 =	vmul.f32 v16, v14;
	v29 =	vsub.f32 v35, v33;
	v14 =	vsub.f32 v17, v22;
	s23 =	sadd.s32 s26, s30  }
0x63: {  	v20 =	vmul.f32 v20, v8;
	v21 =	vmax.f32 v28, $0.0e+00;
	v22 =	vmul.f32 v26, v23;
	v17 =	vld [tilespmem:s23+$0x5B20]  }
0x64: {  	v19 =	vmul.f32 v27, v19;
	v23 =	vmax.f32 v29, $0.0e+00;
	v25 =	vmax.f32 v14, $0.0e+00;
	v14 =	vld [tilespmem:s23+$0x5B30]  }
0x65: {  	v18 =	vmax.f32 v18, $0.0e+00;
	v16 =	vadd.f32 v16, v20;
	v31 =	vmul.f32 v23, v21;
	v21 =	vld [tilespmem:s23+$0x4D20]  }
0x66: {  	v63 =	vmul.f32 v18, v25;
	v19 =	vadd.f32 v19, v22;
	v18 =	vld [tilespmem:s23+$0x4D30]  }
0x67: {  	v16 =	vsub.f32 v16, v31;
	v23 =	vld [tilespmem:s23+$0x5B60]  }
0x68: {  	v20 =	vsub.f32 v19, v63;
	v19 =	vld [tilespmem:s23+$0x5B70]  }
0x69: {  	s25 =	sshll.u32 s21, $0x5;
	v26 =	vld [tilespmem:s23+$0x4D60];
	(erf) = vrcp.f32 v16  }
0x6a: {  	p1 =	sgt.u32 s21, $0x3;
	s25 =	sadd.s32 s25, s24;
	v25 =	vld [tilespmem:s23+$0x4D70];
	(erf) = vrcp.f32 v20  }
0x6b: {  	p3 =	por $0x1, $0x1;
	p2 =	por !p1, !p1;
	v8 =	vld [tilespmem:s25+$0x4980]  }
0x6c: {  	p4 =	por $0x0, $0x0;
	s21 =	simm.f32 $0.0e+00;
	p2 =	por @!p0 p1, p1;
	v22 =	vld [tilespmem:s23+$0x5B10];
	v16 =	vmul.f32 v17, v17;
	v27 =	vmul.f32 v14, v14  }
0x6d: {  	p3 =	por @!p0 p4, p4;
	s21 =	simm.s32 @!p2 $0x3F800000;
	v20 =	vld [tilespmem:s23+$0x5B00];
	v29 =	vmul.f32 v21, v21;
	v46 =	vmul.f32 v18, v18  }
0x6e: {  	s21 =	simm.s32 @!p3 $0x3F800000;
	v28 =	vld [tilespmem:s23+$0x4D00];
	v47 =	vmul.f32 v23, v23;
	v48 =	vmul.f32 v19, v19  }
0x6f: {  	v36 =	vmov s21;
	v37 =	vmul.f32 v26, v26;
	v38 =	vmul.f32 v25, v25  }
0x70: {  	vm5 =	vgt.f32 v8, $0.0e+00;
	v39 =	vmul.f32 $5.000000000e-01, v16;
	v40 =	vmul.f32 $5.000000000e-01, v27  }
0x71: {  	v16 =	vnsel vm5, $0x0, v36;
	v49 =	vmul.f32 $5.000000000e-01, v29;
	v33 =	vmul.f32 $5.000000000e-01, v46  }
0x72: {  	v27 =	vld [tilespmem:s23+$0x4D10];
	v43 =	vmul.f32 $5.000000000e-01, v47;
	v35 =	vmul.f32 $5.000000000e-01, v48;
	v42 =	vsub.f32 v20, v39;
	v41 =	vpop (erf)  }
0x73: {  	v29 =	vld [tilespmem:s23+$0x5B40];
	v37 =	vmul.f32 $5.000000000e-01, v37;
	v44 =	vsub.f32 v22, v40;
	v45 =	vsub.f32 v28, v49;
	v50 =	vpop (erf)  }
0x74: {  	v36 =	vadd.f32 v49, v28;
	v41 =	vmul.f32 v41, v31;
	v32 =	vmul.f32 v50, v63  }
0x75: {  	vm5 =	vgt.f32 v16, $0.0e+00;
	v39 =	vadd.f32 v39, v20;
	v40 =	vadd.f32 v40, v22;
	v31 =	vld [tilespmem:s23+$0x5B50]  }
0x76: {  	v51 =	vsub.f32 v36, v45;
	v41 =	vnsel vm5, $0x0, v41;
	v46 =	vnsel vm5, $0x0, v32  }
0x77: {  	v47 =	vsub.f32 v27, v33;
	v33 =	vadd.f32 v33, v27;
	vm5 =	vgt.f32 v46, v41  }
0x78: {  	v48 =	vsub.f32 v29, v43;
	v11 =	vsel vm5, v24, v11;
	v9 =	vsel vm5, v13, v9  }
0x79: {  	v12 =	vsel vm5, v30, v12;
	v10 =	vsel vm5, v15, v10;
	v13 =	vmul.f32 $5.000000000e-01, v38  }
0x7a: {  	s31 =	simm.s32 $0x2;
	v55 =	vld [tilespmem:s25+$0x4990];
	v5 =	vsel vm5, v7, v5;
	v1 =	vsel vm5, v4, v1;
	v4 =	vadd.f32 v35, v31  }
0x7b: {  	s26 =	smul.u32 $0x25, s31;
	v3 =	vsel vm5, v6, v3;
	v24 =	vsub.f32 v39, v42;
	v30 =	vsub.f32 v40, v44  }
0x7c: {  	v32 =	vld [tilespmem:s23+$0x4D40];
	v0 =	vsel vm5, v2, v0;
	v9 =	vsub.f32 v11, v9;
	v10 =	vsub.f32 v12, v10  }
0x7d: {  	v34 =	vld [tilespmem:s23+$0x4D50];
	s23 =	sshrl.u32 s26, $0x8;
	v15 =	vmin.f32 v40, v33;
	v33 =	vsub.f32 v33, v47;
	v11 =	vsub.f32 v31, v35  }
0x7e: {  	s28 =	ssub.s32 $0x2, s23;
	v3 =	vsub.f32 v5, v3;
	v6 =	vmul.f32 v9, v9;
	v7 =	vmul.f32 v10, v10  }
0x7f: {  	s24 =	sand.u32 $0xFE, s28;
	v57 =	vsel vm5, v55, v8;
	v5 =	vadd.f32 v43, v29;
	v1 =	vsub.f32 v1, v0  }
0x80: {  	v0 =	vimm.f32 $0.0e+00;
	s24 =	sshrl.u32 s24, $0x1;
	v3 =	vmul.f32 v3, v3;
	v2 =	vadd.f32 v7, v6  }
0x81: {  	v12 =	vmax.f32 v44, v47;
	s23 =	sadd.s32 s23, s24;
	v53 =	vsub.f32 v5, v48;
	v6 =	vsub.f32 v32, v37  }
0x82: {  	v10 =	vmax.f32 v42, v45;
	s23 =	sand.u32 $0xFC, s23;
	v7 =	vsub.f32 v34, v13;
	v9 =	vadd.f32 v2, v3  }
0x83: {  	s23 =	sshrl.u32 s23, $0x2;
	v2 =	vadd.f32 v37, v32;
	v3 =	vadd.f32 v13, v34;
	v13 =	vmin.f32 v39, v36  }
0x84: {  	s29 =	smul.u32 $0x7, s23;
	v52 =	vmax.f32 v48, v6;
	v54 =	vmax.f32 v11, v7;
	v11 =	vsub.f32 v4, v11  }
0x85: {  	v5 =	vmin.f32 v5, v2;
	v2 =	vsub.f32 v2, v6;
	v6 =	vsub.f32 v3, v7  }
0x86: {  	v1 =	vmul.f32 v1, v1;
	s24 =	ssub.s32 $0x2, s29;
	v7 =	vsub.f32 v13, v10;
	v10 =	vsub.f32 v15, v12  }
0x87: {  	v56 =	vld [tilespmem:s25+$0x4600];
	s30 =	smul.u32 $0x380, s23;
	s24 =	sand.u32 $0xFF, s24;
	v3 =	vmin.f32 v4, v3;
	v4 =	vmul.f32 v30, v24;
	v13 =	vmul.f32 v33, v51  }
0x88: {  	s31 =	sshll.u32 s24, $0x7;
	v11 =	vmul.f32 v11, v53;
	v1 =	vadd.f32 v9, v1;
	v5 =	vsub.f32 v5, v52  }
0x89: {  	v12 =	vld [tilespmem:s25+$0x4610];
	s26 =	sadd.s32 s31, s30;
	v15 =	vsub.f32 v3, v54;
	v6 =	vmul.f32 v6, v2;
	v7 =	vmax.f32 v7, $0.0e+00  }
0x8a: {  	v3 =	vld [tilespmem:s26+$0x5B20];
	v10 =	vmax.f32 v10, $0.0e+00;
	v1 =	vmul.f32 v1, v16;
	v24 =	vmax.f32 v5, $0.0e+00  }
0x8b: {  	v2 =	vld [tilespmem:s26+$0x5B30];
	v38 =	vmul.f32 v10, v7;
	v7 =	vadd.f32 v13, v4;
	v4 =	vmax.f32 v15, $0.0e+00  }
0x8c: {  	v5 =	vld [tilespmem:s26+$0x4D20];
	v15 =	vmul.f32 v4, v24;
	v6 =	vadd.f32 v6, v11;
	v24 =	vsub.f32 v56, v8  }
0x8d: {  	v4 =	vld [tilespmem:s26+$0x4D30];
	v11 =	vmax.f32 v41, v46;
	v33 =	vadd.f32 v1, v0;
	v10 =	vsub.f32 v7, v38  }
0x8e: {  	s22 =	smul.u32 $0xE0, s22;
	v8 =	vld [tilespmem:s26+$0x4D70];
	v9 =	vsel vm5, v12, v56;
	v12 =	vsub.f32 v12, v55;
	v13 =	vsub.f32 v6, v15  }
0x8f: {  	s28 =	sshll.u32 s20, $0x5;
	v7 =	vld [tilespmem:s26+$0x5B60];
	v9 =	vsub.f32 v9, v11;
	v1 =	vmul.f32 v24, v24;
	(erf) = vrcp.f32 v10  }
0x90: {  	p2 =	sgt.u32 s20, $0x3;
	s22 =	sadd.s32 s28, s22;
	v6 =	vld [tilespmem:s26+$0x5B70];
	v12 =	vmul.f32 v12, v12;
	(erf) = vrcp.f32 v13  }
0x91: {  	p4 =	por $0x0, $0x0;
	p3 =	por !p2, !p2;
	v30 =	vld [tilespmem:s22+$0x4980];
	v9 =	vmul.f32 v9, v9;
	v13 =	vmul.f32 v5, v5  }
0x92: {  	p1 =	por $0x1, $0x1;
	p3 =	por @!p0 p2, p2;
	s25 =	simm.f32 $0.0e+00;
	v24 =	vld [tilespmem:s26+$0x5B10];
	v37 =	vadd.f32 v12, v1;
	v1 =	vmul.f32 v3, v3;
	v12 =	vmul.f32 v2, v2  }
0x93: {  	p1 =	por @!p0 p4, p4;
	v35 =	vsub.f32 s21, v16;
	s25 =	simm.s32 @!p3 $0x3F800000;
	v10 =	vld [tilespmem:s26+$0x4D60];
	v58 =	vmul.f32 v4, v4;
	v63 =	vmul.f32 v8, v8  }
0x94: {  	s25 =	simm.s32 @!p1 $0x3F800000;
	v39 =	vsub.f32 v11, v57;
	v11 =	vmul.f32 v9, v16;
	v9 =	vld [tilespmem:s26+$0x5B00];
	v59 =	vmul.f32 v7, v7  }
0x95: {  	v61 =	vmov s25;
	v56 =	vmul.f32 $5.000000000e-01, v13;
	v13 =	vld [tilespmem:s26+$0x5B40];
	v60 =	vmul.f32 v6, v6  }
0x96: {  	vm5 =	vgt.f32 v30, $0.0e+00;
	v54 =	vmul.f32 $5.000000000e-01, v1;
	v55 =	vmul.f32 $5.000000000e-01, v12;
	v12 =	vld [tilespmem:s26+$0x4D10]  }
0x97: {  	v1 =	vnsel vm5, $0x0, v61;
	v40 =	vmul.f32 $5.000000000e-01, v58;
	v36 =	vadd.f32 v11, v0;
	v11 =	vld [tilespmem:s26+$0x4D00]  }
0x98: {  	v62 =	vmul.f32 v10, v10;
	v41 =	vmul.f32 $5.000000000e-01, v59;
	v51 =	vsub.f32 v24, v55  }
0x99: {  	vm5 =	vgt.f32 v1, $0.0e+00;
	v47 =	vadd.f32 v55, v24;
	v49 =	vsub.f32 v9, v54;
	v57 =	vpop (erf)  }
0x9a: {  	v42 =	vmul.f32 $5.000000000e-01, v60;
	v46 =	vadd.f32 v54, v9;
	v54 =	vsub.f32 v13, v41;
	v50 =	vpop (erf)  }
0x9b: {  	v52 =	vsub.f32 v12, v40;
	v38 =	vmul.f32 v57, v38;
	v58 =	vmul.f32 v50, v15  }
0x9c: {  	v44 =	vmul.f32 $5.000000000e-01, v62;
	v40 =	vadd.f32 v40, v12;
	v59 =	vsub.f32 v11, v56  }
0x9d: {  	v43 =	vadd.f32 v56, v11;
	v38 =	vnsel vm5, $0x0, v38;
	v48 =	vnsel vm5, $0x0, v58  }
0x9e: {  	v61 =	vsub.f32 v46, v49;
	v15 =	vld [tilespmem:s26+$0x5B50];
	v60 =	vmax.f32 v51, v52;
	vm5 =	vgt.f32 v48, v38  }
0x9f: {  	v62 =	vmin.f32 v47, v40;
	v40 =	vsub.f32 v40, v52;
	v28 =	vsel vm5, v32, v28  }
0xa0: {  	v53 =	vld [tilespmem:s22+$0x4600];
	v29 =	vsel vm5, v29, v20;
	v27 =	vsel vm5, v34, v27;
	v22 =	vsel vm5, v31, v22  }
0xa1: {  	s21 =	simm.s32 $0x3;
	v32 =	vld [tilespmem:s22+$0x4610];
	v31 =	vmul.f32 $5.000000000e-01, v63;
	v21 =	vsel vm5, v26, v21;
	v17 =	vsel vm5, v23, v17  }
0xa2: {  	s28 =	smul.u32 $0x25, s21;
	v20 =	vld [tilespmem:s26+$0x4D40];
	v18 =	vsel vm5, v25, v18;
	v28 =	vsub.f32 v28, v29;
	v27 =	vsub.f32 v27, v22  }
0xa3: {  	v14 =	vsel vm5, v19, v14;
	v63 =	vsub.f32 v47, v51;
	v29 =	vsub.f32 v15, v42;
	v22 =	vld [tilespmem:s26+$0x4D50]  }
0xa4: {  	s20 =	sshrl.u32 s28, $0x8;
	v17 =	vsub.f32 v21, v17;
	v21 =	vld [tilespmem:s22+$0x4990];
	v23 =	vmul.f32 v28, v28;
	v26 =	vmul.f32 v27, v27  }
0xa5: {  	s29 =	ssub.s32 $0x3, s20;
	v14 =	vsub.f32 v18, v14;
	v18 =	vmul.f32 v39, v39;
	v27 =	vadd.f32 v41, v13  }
0xa6: {  	s22 =	sand.u32 $0xFE, s29;
	v17 =	vmul.f32 v17, v17;
	v19 =	vadd.f32 v26, v23;
	v23 =	vadd.f32 v42, v15  }
0xa7: {  	s22 =	sshrl.u32 s22, $0x1;
	v14 =	vmul.f32 v14, v14;
	v25 =	vsub.f32 v20, v44;
	v56 =	vsub.f32 v27, v54  }
0xa8: {  	s20 =	sadd.s32 s20, s22;
	v34 =	vsel vm5, v32, v53;
	v26 =	vsub.f32 v22, v31;
	v28 =	vadd.f32 v31, v22  }
0xa9: {  	s20 =	sand.u32 $0xFC, s20;
	v39 =	vsel vm5, v21, v30;
	v31 =	vmax.f32 v49, v59;
	v17 =	vadd.f32 v19, v17  }
0xaa: {  	s22 =	sshrl.u32 s20, $0x2;
	v19 =	vadd.f32 v44, v20;
	v55 =	vmax.f32 v54, v25;
	v57 =	vmax.f32 v29, v26  }
0xab: {  	s20 =	smul.u32 $0x7, s22;
	v29 =	vsub.f32 v23, v29;
	v14 =	vadd.f32 v17, v14;
	v17 =	vmin.f32 v46, v43  }
0xac: {  	v43 =	vsub.f32 v43, v59;
	v27 =	vmin.f32 v27, v19;
	v19 =	vsub.f32 v19, v25  }
0xad: {  	s26 =	smul.u32 $0xE0, s23;
	s20 =	ssub.s32 $0x3, s20;
	v25 =	vsub.f32 v28, v26;
	v26 =	vsub.f32 v62, v60;
	v28 =	vmin.f32 v23, v28  }
0xae: {  	s31 =	sshll.u32 s24, $0x5;
	s30 =	smul.u32 $0x380, s22;
	s23 =	sand.u32 $0xFF, s20;
	v17 =	vsub.f32 v17, v31;
	v31 =	vmul.f32 v63, v61;
	v59 =	vsub.f32 v27, v55  }
0xaf: {  	s26 =	sadd.s32 s31, s26;
	s29 =	sshll.u32 s23, $0x7;
	v28 =	vsub.f32 v28, v57;
	v60 =	vmul.f32 v29, v56;
	v58 =	vmul.f32 v40, v43  }
0xb0: {  	v23 =	vld [tilespmem:s26+$0x4980];
	s20 =	sadd.s32 s29, s30;
	v19 =	vmul.f32 v25, v19;
	v25 =	vmax.f32 v26, $0.0e+00;
	v17 =	vmax.f32 v17, $0.0e+00  }
0xb1: {  	v21 =	vsub.f32 v32, v21;
	v27 =	vld [tilespmem:s20+$0x5B20];
	v61 =	vmax.f32 v59, $0.0e+00;
	v40 =	vmul.f32 v25, v17  }
0xb2: {  	v26 =	vld [tilespmem:s20+$0x5B30];
	v17 =	vadd.f32 v58, v31;
	v25 =	vmax.f32 v28, $0.0e+00;
	v19 =	vadd.f32 v19, v60  }
0xb3: {  	v29 =	vld [tilespmem:s20+$0x4D20];
	v41 =	vmul.f32 v25, v61;
	v25 =	vsub.f32 v53, v30;
	v30 =	vmax.f32 v38, v48  }
0xb4: {  	v21 =	vmul.f32 v21, v21;
	v32 =	vld [tilespmem:s20+$0x5B60];
	v17 =	vsub.f32 v17, v40;
	v38 =	vsub.f32 v34, v30  }
0xb5: {  	v14 =	vmul.f32 v14, v1;
	v28 =	vld [tilespmem:s20+$0x4D30];
	v19 =	vsub.f32 v19, v41;
	v62 =	vmul.f32 v25, v25  }
0xb6: {  	p2 =	sgt.u32 s24, $0x3;
	v31 =	vld [tilespmem:s20+$0x5B70];
	(erf) = vrcp.f32 v17;
	v38 =	vmul.f32 v38, v38  }
0xb7: {  	p4 =	por $0x0, $0x0;
	p3 =	por !p2, !p2;
	v34 =	vld [tilespmem:s20+$0x4D60];
	v17 =	vsub.f32 v30, v39;
	v44 =	vmul.f32 v27, v27;
	(erf) = vrcp.f32 v19  }
0xb8: {  	s24 =	simm.f32 $0.0e+00;
	p1 =	por $0x1, $0x1;
	p3 =	por @!p0 p2, p2;
	v25 =	vadd.f32 v14, v33;
	v33 =	vld [tilespmem:s20+$0x4D70];
	v45 =	vmul.f32 v26, v26;
	v50 =	vmul.f32 v29, v29  }
0xb9: {  	p1 =	por @!p0 p4, p4;
	s24 =	simm.s32 @!p3 $0x3F800000;
	vm5 =	vgt.f32 v23, $0.0e+00;
	v30 =	vld [tilespmem:s26+$0x4990];
	v51 =	vmul.f32 v32, v32;
	v19 =	vmul.f32 v17, v17  }
0xba: {  	s24 =	simm.s32 @!p1 $0x3F800000;
	v14 =	vsub.f32 s25, v1;
	v17 =	vmul.f32 v18, v16;
	v16 =	vmul.f32 v37, v35;
	v35 =	vld [tilespmem:s26+$0x4600]  }
0xbb: {  	v39 =	vmov s24;
	v46 =	vmul.f32 v28, v28;
	v63 =	vmul.f32 v38, v1;
	v38 =	vld [tilespmem:s20+$0x5B00]  }
0xbc: {  	v49 =	vmul.f32 v31, v31;
	v18 =	vadd.f32 v21, v62;
	v37 =	vld [tilespmem:s20+$0x5B10];
	v48 =	vmul.f32 v34, v34  }
0xbd: {  	s25 =	simm.s32 $0x4;
	v21 =	vadd.f32 v17, v0;
	v17 =	vadd.f32 v63, v36;
	v47 =	vmul.f32 v33, v33;
	v36 =	vld [tilespmem:s26+$0x4610]  }
.LBB2_10:
0xbe: {  	p1 =	sne.s32 s25, $0x1B;
	v42 =	vmul.f32 $5.000000000e-01, v44;
	v43 =	vmul.f32 $5.000000000e-01, v45;
	v44 =	vld [tilespmem:s20+$0x4D00];
	v39 =	vnsel vm5, $0x0, v39  }
0xbf: {  	v50 =	vmul.f32 $5.000000000e-01, v50;
	v46 =	vmul.f32 $5.000000000e-01, v46;
	v45 =	vld [tilespmem:s20+$0x4D10];
	vm5 =	vgt.f32 v39, $0.0e+00;
	v52 =	vpop (erf)  }
0xc0: {  	v51 =	vmul.f32 $5.000000000e-01, v51;
	v49 =	vmul.f32 $5.000000000e-01, v49;
	v53 =	vsub.f32 v38, v42;
	v54 =	vld [tilespmem:s20+$0x5B40];
	v55 =	vpop (erf)  }
0xc1: {  	v40 =	vmul.f32 v52, v40;
	v56 =	vsub.f32 v37, v43;
	v41 =	vmul.f32 v55, v41  }
0xc2: {  	v48 =	vmul.f32 $5.000000000e-01, v48;
	v52 =	vadd.f32 v42, v38;
	v55 =	vadd.f32 v43, v37  }
0xc3: {  	v42 =	vnsel vm5, $0x0, v40;
	v57 =	vsub.f32 v44, v50;
	v58 =	vld [tilespmem:s20+$0x5B50];
	v43 =	vnsel vm5, $0x0, v41  }
0xc4: {  	v41 =	vadd.f32 v50, v44;
	v40 =	vsub.f32 v45, v46;
	vm5 =	vgt.f32 v43, v42  }
0xc5: {  	v46 =	vadd.f32 v46, v45;
	v50 =	vsub.f32 v54, v51;
	v59 =	vsel vm5, v20, v11;
	v11 =	vmovc v44  }
0xc6: {  	v60 =	vsel vm5, v13, v9;
	v22 =	vsel vm5, v22, v12;
	v61 =	vsel vm5, v15, v24;
	v12 =	vmovc v45  }
0xc7: {  	v24 =	vmul.f32 $5.000000000e-01, v47;
	v13 =	vmovc v54;
	v9 =	vmovc v38;
	v44 =	vsub.f32 v59, v60;
	v45 =	vsub.f32 v22, v61;
	v20 =	vld [tilespmem:s20+$0x4D40]  }
0xc8: {  	v5 =	vsel vm5, v10, v5;
	v47 =	vsel vm5, v7, v3;
	v38 =	vsub.f32 v58, v49;
	v22 =	vld [tilespmem:s20+$0x4D50];
	v15 =	vmovc v58  }
0xc9: {  	v3 =	vmovc v27;
	s20 =	smul.u32 $0x25, s25;
	v7 =	vmul.f32 v44, v44;
	v10 =	vmul.f32 v45, v45;
	v44 =	vsub.f32 v5, v47  }
0xca: {  	v6 =	vsel vm5, v6, v2;
	v2 =	vmovc v26;
	v27 =	vadd.f32 v51, v13;
	v45 =	vsel vm5, v8, v4  }
0xcb: {  	v5 =	vmovc v29;
	v51 =	vsub.f32 v45, v6;
	s20 =	sshrl.u32 s20, $0x8;
	v47 =	vadd.f32 v10, v7;
	v8 =	vmul.f32 v44, v44  }
0xcc: {  	v4 =	vmovc v28;
	v26 =	vadd.f32 v49, v15;
	v44 =	vsel vm5, v36, v35;
	s26 =	ssub.s32 s25, s20;
	v29 =	vsub.f32 v20, v48  }
0xcd: {  	v49 =	vmul.f32 v51, v51;
	s26 =	sand.u32 $0xFE, s26;
	v54 =	vadd.f32 v47, v8;
	v7 =	vmovc v32;
	v28 =	vsub.f32 v22, v24  }
0xce: {  	v6 =	vmovc v31;
	v32 =	vadd.f32 v48, v20;
	v47 =	vsel vm5, v30, v23;
	s26 =	sshrl.u32 s26, $0x1;
	v45 =	vadd.f32 v24, v22  }
0xcf: {  	v31 =	vmax.f32 v53, v57;
	v48 =	vmax.f32 v56, v40;
	v10 =	vmovc v34;
	s20 =	sadd.s32 s20, s26;
	v54 =	vadd.f32 v54, v49  }
0xd0: {  	v51 =	vsub.f32 v52, v53;
	v34 =	vmin.f32 v52, v41;
	v49 =	vmin.f32 v55, v46;
	v8 =	vmovc v33;
	s20 =	sand.u32 $0xFC, s20  }
0xd1: {  	v41 =	vsub.f32 v41, v57;
	v24 =	vmovc v37;
	v33 =	vsub.f32 v55, v56;
	s20 =	sshrl.u32 s20, $0x2;
	v52 =	vmul.f32 v54, v39  }
0xd2: {  	v37 =	vsub.f32 v46, v40;
	v40 =	vmax.f32 v50, v29;
	v46 =	vsub.f32 v27, v50;
	s26 =	smul.u32 $0x7, s20  }
0xd3: {  	v50 =	vmax.f32 v38, v28;
	v38 =	vsub.f32 v26, v38;
	v25 =	vadd.f32 v52, v25  }
0xd4: {  	s28 =	smul.u32 $0xE0, s22;
	v27 =	vmin.f32 v27, v32;
	v29 =	vsub.f32 v32, v29;
	v28 =	vsub.f32 v45, v28;
	s22 =	smov.u32 s20;
	s26 =	ssub.s32 s25, s26  }
0xd5: {  	v31 =	vsub.f32 v34, v31;
	v32 =	vsub.f32 v49, v48;
	v26 =	vmin.f32 v26, v45;
	s20 =	smul.u32 $0x380, s22;
	s29 =	sand.u32 $0xFF, s26;
	s26 =	sshll.u32 s23, $0x5  }
0xd6: {  	v34 =	vmul.f32 v37, v41;
	v37 =	vsub.f32 v27, v40;
	v33 =	vmul.f32 v33, v51;
	s30 =	sshll.u32 s29, $0x7;
	s26 =	sadd.s32 s26, s28  }
0xd7: {  	v41 =	vsub.f32 v26, v50;
	v38 =	vmul.f32 v38, v46;
	v28 =	vmul.f32 v28, v29;
	s20 =	sadd.s32 s30, s20;
	v45 =	vld [tilespmem:s26+$0x4980]  }
0xd8: {  	v29 =	vmax.f32 v31, $0.0e+00;
	v31 =	vmax.f32 v32, $0.0e+00;
	v32 =	vmax.f32 v37, $0.0e+00;
	v27 =	vld [tilespmem:s20+$0x5B20]  }
0xd9: {  	v40 =	vmul.f32 v31, v29;
	v31 =	vadd.f32 v34, v33;
	v33 =	vmax.f32 v41, $0.0e+00;
	v26 =	vld [tilespmem:s20+$0x5B30]  }
0xda: {  	v41 =	vmul.f32 v33, v32;
	v33 =	vadd.f32 v28, v38;
	v38 =	vsub.f32 v35, v23;
	v29 =	vld [tilespmem:s20+$0x4D20]  }
0xdb: {  	v30 =	vsub.f32 v36, v30;
	v35 =	vmax.f32 v42, v43;
	v34 =	vsub.f32 v31, v40;
	v28 =	vld [tilespmem:s20+$0x4D30]  }
0xdc: {  	v36 =	vsub.f32 v44, v35;
	v33 =	vsub.f32 v33, v41;
	v37 =	vmul.f32 v38, v38;
	v32 =	vld [tilespmem:s20+$0x5B60];
	v23 =	vmovc v45  }
0xdd: {  	v30 =	vmul.f32 v30, v30;
	v35 =	vsub.f32 v35, v47;
	v31 =	vld [tilespmem:s20+$0x5B70];
	(erf) = vrcp.f32 v34  }
0xde: {  	p4 =	sgt.u32 s23, $0x3;
	v38 =	vsub.f32 s24, v39;
	s23 =	smov.u32 s29;
	v36 =	vmul.f32 v36, v36;
	v34 =	vld [tilespmem:s20+$0x4D60];
	(erf) = vrcp.f32 v33  }
0xdf: {  	p2 =	slt.u32 s21, $0x7;
	p5 =	sgt.u32 s21, $0x14;
	p3 =	por !p4, !p4;
	v42 =	vmul.f32 v19, v1;
	v1 =	vmovc v39;
	v19 =	vmul.f32 v35, v35;
	v37 =	vadd.f32 v30, v37;
	v33 =	vld [tilespmem:s20+$0x4D70]  }
.Ltmp4:
0xe0: {  	v0 =	vadd.f32 v16, v0;
	v16 =	vmul.f32 v18, v14;
	p3 =	por @!p0 p4, p4;
	s24 =	simm.f32 $0.0e+00;
	v36 =	vmul.f32 v36, v1;
	v30 =	vld [tilespmem:s26+$0x4990];
	(pc) =	sbr.rel @p1 .LBB2_10-.Ltmp4, $4  }
0xe1: {  	s21 =	smov.u32 s25;
	p2 =	por @!p0 p5, p5;
	v21 =	vadd.f32 v42, v21;
	s24 =	simm.s32 @!p3 $0x3F800000;
	v14 =	vmovc v38;
	v44 =	vmul.f32 v27, v27;
	v45 =	vmul.f32 v26, v26;
	v35 =	vld [tilespmem:s26+$0x4600]  }
0xe2: {  	s24 =	simm.s32 @!p2 $0x3F800000;
	v18 =	vmovc v37;
	v17 =	vadd.f32 v36, v17;
	v50 =	vmul.f32 v29, v29;
	v46 =	vmul.f32 v28, v28;
	v38 =	vld [tilespmem:s20+$0x5B00]  }
0xe3: {  	v39 =	vmov s24;
	v51 =	vmul.f32 v32, v32;
	v49 =	vmul.f32 v31, v31;
	v37 =	vld [tilespmem:s20+$0x5B10]  }
0xe4: {  	s25 =	sadd.s32 $0x1, s25;
	vm5 =	vgt.f32 v23, $0.0e+00;
	v48 =	vmul.f32 v34, v34;
	v47 =	vmul.f32 v33, v33;
	v36 =	vld [tilespmem:s26+$0x4610]  }
0xe5: {  	v43 =	vld [tilespmem:s20+$0x4D00]  }
0xe6: {  	v42 =	vld [tilespmem:s20+$0x4D10];
	v52 =	vmul.f32 $5.000000000e-01, v44  }
0xe7: {  	v53 =	vmul.f32 $5.000000000e-01, v45;
	v44 =	vld [tilespmem:s20+$0x5B40];
	v50 =	vmul.f32 $5.000000000e-01, v50  }
0xe8: {  	v45 =	vld [tilespmem:s20+$0x5B50];
	v54 =	vmul.f32 $5.000000000e-01, v46;
	v51 =	vmul.f32 $5.000000000e-01, v51;
	v55 =	vsub.f32 v38, v52  }
0xe9: {  	v46 =	vld [tilespmem:s20+$0x4D40];
	v49 =	vmul.f32 $5.000000000e-01, v49;
	v52 =	vadd.f32 v52, v38;
	v56 =	vsub.f32 v37, v53  }
0xea: {  	v39 =	vnsel vm5, $0x0, v39;
	v53 =	vadd.f32 v53, v37;
	v58 =	vsub.f32 v43, v50  }
0xeb: {  	v48 =	vmul.f32 $5.000000000e-01, v48;
	v59 =	vsub.f32 v42, v54;
	v50 =	vadd.f32 v50, v43  }
0xec: {  	v57 =	vpop (erf);
	v47 =	vmul.f32 $5.000000000e-01, v47;
	v54 =	vadd.f32 v54, v42;
	v60 =	vsub.f32 v44, v51  }
0xed: {  	v57 =	vmul.f32 v57, v40;
	v40 =	vpop (erf);
	v61 =	vsub.f32 v45, v49;
	v51 =	vadd.f32 v51, v44  }
0xee: {  	v41 =	vmul.f32 v40, v41;
	v49 =	vadd.f32 v49, v45;
	v62 =	vsub.f32 v46, v48  }
0xef: {  	v48 =	vadd.f32 v48, v46;
	v63 =	vmax.f32 v55, v58;
	v55 =	vsub.f32 v52, v55  }
0xf0: {  	[tilespmem:$0x1FFF0] =	vst v42;
	v42 =	vld [tilespmem:s20+$0x4D50];
	v52 =	vmin.f32 v52, v50;
	v50 =	vsub.f32 v50, v58;
	v58 =	vmax.f32 v56, v59  }
0xf1: {  	v56 =	vsub.f32 v53, v56;
	v53 =	vmin.f32 v53, v54;
	v54 =	vsub.f32 v54, v59  }
0xf2: {  	v59 =	vsub.f32 v51, v60;
	v60 =	vmax.f32 v60, v62;
	v62 =	vsub.f32 v48, v62  }
0xf3: {  	v48 =	vmin.f32 v51, v48;
	v51 =	vsub.f32 v52, v63;
	v52 =	vsub.f32 v53, v58  }
0xf4: {  	vm5 =	vgt.f32 v39, $0.0e+00;
	v63 =	vsub.f32 v49, v61;
	v48 =	vsub.f32 v48, v60  }
0xf5: {  	v41 =	vnsel vm5, $0x0, v41;
	v40 =	vsub.f32 v42, v47;
	v47 =	vadd.f32 v47, v42  }
0xf6: {  	v50 =	vmul.f32 v54, v50;
	v63 =	vmul.f32 v63, v59;
	v51 =	vmax.f32 v51, $0.0e+00  }
0xf7: {  	v53 =	vmax.f32 v61, v40;
	v40 =	vsub.f32 v47, v40;
	v47 =	vmin.f32 v49, v47  }
0xf8: {  	v52 =	vmax.f32 v52, $0.0e+00;
	v49 =	vmul.f32 v56, v55;
	v47 =	vsub.f32 v47, v53  }
0xf9: {  	v48 =	vmax.f32 v48, $0.0e+00;
	v51 =	vmul.f32 v52, v51;
	v40 =	vmul.f32 v40, v62  }
0xfa: {  	v61 =	vnsel vm5, $0x0, v57;
	v49 =	vadd.f32 v50, v49;
	v47 =	vmax.f32 v47, $0.0e+00  }
0xfb: {  	vm5 =	vgt.f32 v41, v61;
	v47 =	vmul.f32 v47, v48;
	v40 =	vadd.f32 v40, v63  }
0xfc: {  	v9 =	vsel vm5, v13, v9;
	v13 =	vsub.f32 v49, v51  }
0xfd: {  	v55 =	vsub.f32 v40, v47  }
0xfe: {  	(erf) = vrcp.f32 v13  }
0xff: {  	(erf) = vrcp.f32 v55  }
0x100: {  	v11 =	vsel vm5, v20, v11;
	v12 =	vsel vm5, v22, v12;
	v15 =	vsel vm5, v15, v24  }
0x101: {  	s20 =	simm.s32 $0x0;
	v9 =	vsub.f32 v11, v9;
	v11 =	vsub.f32 v12, v15  }
0x102: {  	s25 =	smul.u32 $0x25, s20;
	v5 =	vsel vm5, v10, v5;
	v3 =	vsel vm5, v7, v3  }
0x103: {  	s22 =	smul.u32 $0xE0, s22;
	v3 =	vsub.f32 v5, v3;
	v7 =	vmul.f32 v9, v9;
	v9 =	vmul.f32 v11, v11  }
0x104: {  	s26 =	sshll.u32 s23, $0x5;
	s25 =	sshrl.u32 s25, $0x8;
	v4 =	vsel vm5, v8, v4;
	v2 =	vsel vm5, v6, v2  }
0x105: {  	s22 =	sadd.s32 s26, s22;
	s28 =	ssub.s32 $0x0, s25;
	v2 =	vsub.f32 v4, v2;
	v3 =	vmul.f32 v3, v3;
	v5 =	vadd.f32 v9, v7  }
0x106: {  	p2 =	sgt.u32 s23, $0x3;
	p1 =	slt.u32 s21, $0x7;
	s31 =	sand.u32 $0xFE, s28;
	v4 =	vld [tilespmem:s22+$0x4980]  }
0x107: {  	p4 =	sgt.u32 s21, $0x14;
	p3 =	por !p2, !p2;
	s23 =	sshrl.u32 s31, $0x1;
	v2 =	vmul.f32 v2, v2;
	v7 =	vld [tilespmem:s22+$0x4610];
	v3 =	vadd.f32 v5, v3;
	v6 =	vpop (erf)  }
0x108: {  	p1 =	por @!p0 p4, p4;
	p3 =	por @!p0 p2, p2;
	s26 =	sadd.s32 s25, s23;
	v5 =	vld [tilespmem:s22+$0x4600];
	v8 =	vpop (erf)  }
0x109: {  	v1 =	vmul.f32 v19, v1;
	s23 =	simm.f32 $0.0e+00;
	s21 =	sand.u32 $0xFC, s26;
	v2 =	vadd.f32 v3, v2;
	v3 =	vld [tilespmem:s22+$0x4990];
	_ =	swait.ge [sflag:s16], $0x2300  }
0x10a: {  	s23 =	simm.s32 @!p3 $0x3F800000;
	s22 =	sshrl.u32 s21, $0x2;
	[sflag:s16] =	ssyncset.done $0x0  }
0x10b: {  	v1 =	vadd.f32 v1, v21;
	v10 =	vsel vm5, v30, v23;
	s23 =	simm.s32 @!p1 $0x3F800000;
	s21 =	smul.u32 $0x7, s22;
	[sflag:s16] =	ssyncadd.s32 $0xFFFFDD00  }
0x10c: {  	v11 =	vmov s23;
	v9 =	vsel vm5, v36, v35;
	vm5 =	vgt.f32 v4, $0.0e+00;
	_ =	swait.ge [sflag:s16], $0x2300  }
0x10d: {  	v11 =	vnsel vm5, $0x0, v11;
	s21 =	ssub.s32 $0x0, s21;
	v6 =	vmul.f32 v6, v51;
	v8 =	vmul.f32 v8, v47;
	v58 =	vld [tilespmem:$0x1FFF0]  }
0x10e: {  	v12 =	vsub.f32 v35, v23;
	v15 =	vsub.f32 v36, v30;
	vm5 =	vgt.f32 v11, $0.0e+00;
	s29 =	smul.u32 $0x8C0, s22;
	s21 =	sand.u32 $0xFF, s21  }
0x10f: {  	v13 =	vmax.f32 v61, v41;
	s30 =	sshll.u32 s21, $0x4;
	v6 =	vnsel vm5, $0x0, v6;
	v8 =	vnsel vm5, $0x0, v8;
	[sflag:s16] =	ssyncset.done $0x0  }
0x110: {  	v63 =	vsub.f32 s24, v39;
	v10 =	vsub.f32 v13, v10;
	s25 =	sadd.s32 s30, s29;
	vm5 =	vgt.f32 v8, v6;
	[sflag:s16] =	ssyncadd.s32 $0xFFFFDD00  }
0x111: {  	v9 =	vsub.f32 v9, v13;
	v13 =	vmul.f32 v15, v15;
	v15 =	vsel vm5, v46, v43;
	v56 =	vld [tilespmem:s25+$0x0]  }
0x112: {  	v57 =	vsel vm5, v44, v38;
	v59 =	vsel vm5, v45, v37;
	v60 =	vld [tilespmem:s25+$0x2300];
	v23 =	vsel vm5, v42, v58  }
0x113: {  	v14 =	vmul.f32 v18, v14;
	v15 =	vsub.f32 v15, v57;
	v62 =	vld [tilespmem:s25+$0x70];
	v61 =	vsub.f32 v23, v59  }
0x114: {  	v12 =	vmul.f32 v12, v12;
	v29 =	vsel vm5, v34, v29;
	v27 =	vsel vm5, v32, v27;
	v34 =	vld [tilespmem:s25+$0x2370]  }
0x115: {  	v27 =	vsub.f32 v29, v27;
	v35 =	vld [tilespmem:s25+$0xE0];
	v15 =	vmul.f32 v15, v15;
	v22 =	vmul.f32 v61, v61  }
0x116: {  	v9 =	vmul.f32 v9, v9;
	v36 =	vsel vm5, v33, v28;
	v26 =	vsel vm5, v31, v26;
	v37 =	vld [tilespmem:s25+$0x23E0]  }
0x117: {  	v19 =	vsub.f32 v36, v26;
	v40 =	vld [tilespmem:s25+$0x150];
	v38 =	vmul.f32 v27, v27;
	v15 =	vadd.f32 v22, v15  }
0x118: {  	v10 =	vmul.f32 v10, v10;
	v12 =	vadd.f32 v13, v12;
	v13 =	vadd.f32 v16, v0;
	v0 =	vld [tilespmem:s25+$0x2450]  }
0x119: {  	v9 =	vmul.f32 v9, v39;
	v44 =	vld [tilespmem:s25+$0x24C0];
	v41 =	vmul.f32 v19, v19;
	v15 =	vadd.f32 v15, v38  }
0x11a: {  	v10 =	vmul.f32 v10, v39;
	v45 =	vld [tilespmem:s25+$0x230];
	v20 =	vsub.f32 v56, v60;
	v43 =	vsub.f32 v62, v34  }
0x11b: {  	v2 =	vmul.f32 v2, v39;
	v9 =	vadd.f32 v9, v17;
	v42 =	vld [tilespmem:s25+$0x1C0];
	v15 =	vadd.f32 v15, v41  }
0x11c: {  	v49 =	vld [tilespmem:s25+$0x2530];
	v48 =	vsub.f32 v35, v37;
	v46 =	vmul.f32 v20, v20;
	v47 =	vmul.f32 v43, v43  }
0x11d: {  	v2 =	vadd.f32 v2, v25;
	v51 =	vsel vm5, v3, v4;
	v52 =	vld [tilespmem:s25+$0x2A0];
	v15 =	vmul.f32 v15, v11  }
0x11e: {  	v55 =	vld [tilespmem:s25+$0x25A0];
	v54 =	vsub.f32 v40, v0;
	v53 =	vmul.f32 v48, v48;
	v17 =	vadd.f32 v47, v46  }
0x11f: {  	v57 =	vld [tilespmem:s25+$0x380];
	v0 =	vadd.f32 v15, v2;
	v2 =	vsub.f32 v5, v4;
	v4 =	vmax.f32 v6, v8  }
0x120: {  	v56 =	vld [tilespmem:s25+$0x2610];
	v6 =	vadd.f32 v53, v17;
	v8 =	vmul.f32 v54, v54;
	v15 =	vsub.f32 v42, v44  }
0x121: {  	v13 =	vadd.f32 v14, v13;
	v50 =	vsel vm5, v7, v5;
	v3 =	vsub.f32 v7, v3;
	v5 =	vld [tilespmem:s25+$0x310]  }
0x122: {  	v58 =	vld [tilespmem:s25+$0x2680];
	v6 =	vadd.f32 v8, v6;
	v8 =	vmul.f32 v15, v15;
	v15 =	vsub.f32 v45, v49  }
0x123: {  	v3 =	vmul.f32 v3, v3;
	v59 =	vld [tilespmem:s25+$0x3F0];
	v7 =	vsub.f32 v50, v4;
	v2 =	vmul.f32 v2, v2  }
0x124: {  	v60 =	vld [tilespmem:s25+$0x26F0];
	v6 =	vadd.f32 v8, v6;
	v8 =	vmul.f32 v15, v15;
	v15 =	vsub.f32 v52, v55  }
0x125: {  	v10 =	vadd.f32 v10, v1;
	v7 =	vmul.f32 v7, v7;
	v2 =	vadd.f32 v3, v2  }
0x126: {  	v3 =	vld [tilespmem:s25+$0x460];
	v5 =	vsub.f32 v5, v56;
	v6 =	vadd.f32 v8, v6;
	v8 =	vmul.f32 v15, v15  }
0x127: {  	v12 =	vmul.f32 v12, v63;
	v16 =	vsub.f32 v57, v58;
	v4 =	vsub.f32 v4, v51;
	v15 =	vld [tilespmem:s25+$0x2760]  }
0x128: {  	v14 =	vld [tilespmem:s25+$0x4D0];
	v7 =	vmul.f32 v7, v11;
	v6 =	vadd.f32 v8, v6;
	v8 =	vmul.f32 v5, v5  }
0x129: {  	v62 =	vld [tilespmem:s25+$0x27D0];
	v61 =	vsub.f32 s23, v11;
	v63 =	vsub.f32 v59, v60;
	v4 =	vmul.f32 v4, v4  }
0x12a: {  	v1 =	vadd.f32 v7, v9;
	v9 =	vmul.f32 v16, v16;
	v5 =	vld [tilespmem:s25+$0x540];
	v7 =	vadd.f32 v8, v6  }
0x12b: {  	v12 =	vadd.f32 v12, v13;
	s23 =	simm.s32 $0x1;
	v4 =	vmul.f32 v4, v11;
	v11 =	vmul.f32 v2, v61;
	v8 =	vld [tilespmem:s25+$0x2840]  }
0x12c: {  	s31 =	smul.u32 $0x25, s23;
	v16 =	vmul.f32 v63, v63;
	v6 =	vld [tilespmem:s25+$0x5B0];
	v15 =	vsub.f32 v3, v15;
	v13 =	vadd.f32 v9, v7  }
0x12d: {  	v2 =	vadd.f32 v4, v10;
	v3 =	vadd.f32 v11, v12;
	v9 =	vld [tilespmem:s25+$0x28B0]  }
0x12e: {  	s26 =	sshrl.u32 s31, $0x8;
	v10 =	vld [tilespmem:s25+$0x2920];
	v12 =	vmul.f32 v15, v15;
	v11 =	vadd.f32 v16, v13;
	v13 =	vsub.f32 v14, v62  }
0x12f: {  	s24 =	simm.s32 $0x2;
	s28 =	ssub.s32 $0x1, s26;
	v4 =	vimm.f32 $0.0e+00;
	v7 =	vld [tilespmem:s25+$0x620]  }
.LBB2_12:
0x130: {  	p1 =	sne.s32 s24, $0x1B;
	s28 =	sand.u32 $0xFE, s28;
	v11 =	vadd.f32 v12, v11;
	v12 =	vmul.f32 v13, v13;
	v5 =	vsub.f32 v5, v8;
	v8 =	vld [tilespmem:s25+$0x690]  }
0x131: {  	s28 =	sshrl.u32 s28, $0x1;
	v13 =	vld [tilespmem:s25+$0x2990]  }
0x132: {  	s26 =	sadd.s32 s26, s28;
	v11 =	vadd.f32 v12, v11;
	v5 =	vmul.f32 v5, v5;
	v6 =	vsub.f32 v6, v9;
	v9 =	vld [tilespmem:s25+$0x700]  }
0x133: {  	s26 =	sand.u32 $0xFC, s26;
	v12 =	vld [tilespmem:s25+$0x2A00]  }
0x134: {  	s26 =	sshrl.u32 s26, $0x2;
	v5 =	vadd.f32 v5, v11;
	v6 =	vmul.f32 v6, v6;
	v7 =	vsub.f32 v7, v10;
	v10 =	vld [tilespmem:s25+$0x770]  }
0x135: {  	s28 =	smul.u32 $0x7, s26;
	v11 =	vld [tilespmem:s25+$0x2A70]  }
0x136: {  	s29 =	smul.u32 $0x380, s22;
	s22 =	smov.u32 s26;
	v5 =	vadd.f32 v6, v5;
	v6 =	vmul.f32 v7, v7;
	v7 =	vsub.f32 v8, v13;
	v8 =	vld [tilespmem:s25+$0x7E0]  }
0x137: {  	s26 =	ssub.s32 s23, s28;
	s28 =	smul.u32 $0x8C0, s22;
	v13 =	vld [tilespmem:s25+$0x2AE0]  }
0x138: {  	s30 =	sshll.u32 s21, $0x5;
	s29 =	sshrl.u32 s29, $0x2;
	s26 =	sand.u32 $0xFF, s26;
	v5 =	vadd.f32 v6, v5;
	v6 =	vmul.f32 v7, v7;
	v7 =	vsub.f32 v9, v12;
	v9 =	vld [tilespmem:s25+$0x850]  }
0x139: {  	s29 =	sadd.s32 s30, s29;
	s31 =	sshll.u32 s26, $0x4;
	v12 =	vld [tilespmem:s25+$0x2B50]  }
0x13a: {  	s25 =	sadd.s32 s31, s28;
	v14 =	vld [tilespmem:s29+$0x4980];
	v5 =	vadd.f32 v6, v5;
	v6 =	vmul.f32 v7, v7;
	v7 =	vsub.f32 v10, v11  }
0x13b: {  	v10 =	vld [tilespmem:s25+$0x0]  }
0x13c: {  	v11 =	vld [tilespmem:s25+$0x2300];
	v5 =	vadd.f32 v6, v5;
	v6 =	vmul.f32 v7, v7;
	v7 =	vsub.f32 v8, v13  }
0x13d: {  	p2 =	sgt.u32 s21, $0x3;
	s21 =	smov.u32 s26;
	v8 =	vld [tilespmem:s25+$0x70]  }
0x13e: {  	p4 =	slt.u32 s20, $0x7;
	p3 =	por !p2, !p2;
	v13 =	vld [tilespmem:s25+$0x2370];
	v5 =	vadd.f32 v6, v5;
	v6 =	vmul.f32 v7, v7;
	v7 =	vsub.f32 v9, v12  }
0x13f: {  	p5 =	sgt.u32 s20, $0x14;
	p3 =	por @!p0 p2, p2;
	s26 =	simm.f32 $0.0e+00;
	v9 =	vld [tilespmem:s25+$0xE0]  }
0x140: {  	s20 =	smov.u32 s23;
	p4 =	por @!p0 p5, p5;
	s26 =	simm.s32 @!p3 $0x3F800000;
	v12 =	vld [tilespmem:s25+$0x23E0];
	v5 =	vadd.f32 v6, v5;
	v6 =	vmul.f32 v7, v7  }
0x141: {  	s23 =	smov.u32 s24;
	s26 =	simm.s32 @!p4 $0x3F800000;
	v7 =	vld [tilespmem:s25+$0x150]  }
0x142: {  	vm5 =	vgt.f32 v14, $0.0e+00;
	v14 =	vmov s26;
	v15 =	vld [tilespmem:s25+$0x2450];
	v5 =	vadd.f32 v6, v5  }
0x143: {  	v6 =	vsub.f32 v10, v11;
	v11 =	vnsel vm5, $0x0, v14;
	v8 =	vsub.f32 v8, v13;
	v10 =	vld [tilespmem:s25+$0x1C0]  }
0x144: {  	v13 =	vld [tilespmem:s25+$0x24C0];
	v5 =	vmul.f32 v5, v11  }
0x145: {  	v6 =	vmul.f32 v6, v6;
	v8 =	vmul.f32 v8, v8;
	v9 =	vsub.f32 v9, v12;
	v11 =	vld [tilespmem:s25+$0x230]  }
0x146: {  	v12 =	vld [tilespmem:s25+$0x2530];
	v4 =	vadd.f32 v5, v4  }
0x147: {  	v5 =	vadd.f32 v8, v6;
	v6 =	vmul.f32 v9, v9;
	v7 =	vsub.f32 v7, v15;
	v8 =	vld [tilespmem:s25+$0x2A0]  }
0x148: {  	v9 =	vld [tilespmem:s25+$0x25A0]  }
0x149: {  	v5 =	vadd.f32 v6, v5;
	v6 =	vmul.f32 v7, v7;
	v7 =	vsub.f32 v10, v13;
	v10 =	vld [tilespmem:s25+$0x310]  }
0x14a: {  	v13 =	vld [tilespmem:s25+$0x2610]  }
0x14b: {  	v5 =	vadd.f32 v6, v5;
	v6 =	vmul.f32 v7, v7;
	v7 =	vsub.f32 v11, v12;
	v11 =	vld [tilespmem:s25+$0x380]  }
0x14c: {  	v12 =	vld [tilespmem:s25+$0x2680]  }
0x14d: {  	v5 =	vadd.f32 v6, v5;
	v6 =	vmul.f32 v7, v7;
	v7 =	vsub.f32 v8, v9;
	v8 =	vld [tilespmem:s25+$0x3F0]  }
0x14e: {  	v9 =	vld [tilespmem:s25+$0x26F0]  }
0x14f: {  	v5 =	vadd.f32 v6, v5;
	v6 =	vmul.f32 v7, v7;
	v7 =	vsub.f32 v10, v13;
	v10 =	vld [tilespmem:s25+$0x460]  }
0x150: {  	v13 =	vld [tilespmem:s25+$0x2760]  }
0x151: {  	v5 =	vadd.f32 v6, v5;
	v6 =	vmul.f32 v7, v7;
	v7 =	vsub.f32 v11, v12;
	v14 =	vld [tilespmem:s25+$0x4D0]  }
0x152: {  	v15 =	vld [tilespmem:s25+$0x27D0]  }
0x153: {  	v6 =	vadd.f32 v6, v5;
	v7 =	vmul.f32 v7, v7;
	v9 =	vsub.f32 v8, v9;
	v5 =	vld [tilespmem:s25+$0x540]  }
.Ltmp5:
0x154: {  	v8 =	vld [tilespmem:s25+$0x2840];
	(pc) =	sbr.rel @p1 .LBB2_12-.Ltmp5, $4  }
0x155: {  	s26 =	smul.u32 $0x25, s24;
	v7 =	vadd.f32 v7, v6;
	v11 =	vmul.f32 v9, v9;
	v10 =	vsub.f32 v10, v13;
	v6 =	vld [tilespmem:s25+$0x5B0]  }
0x156: {  	v9 =	vld [tilespmem:s25+$0x28B0]  }
0x157: {  	s26 =	sshrl.u32 s26, $0x8;
	v11 =	vadd.f32 v11, v7;
	v12 =	vmul.f32 v10, v10;
	v13 =	vsub.f32 v14, v15;
	v7 =	vld [tilespmem:s25+$0x620]  }
0x158: {  	s24 =	sadd.s32 $0x1, s24;
	s28 =	ssub.s32 s23, s26;
	v10 =	vld [tilespmem:s25+$0x2920]  }
0x159: {  	s24 =	sand.u32 $0xFE, s28  }
0x15a: {  	v14 =	vld [tilespmem:s25+$0x690];
	s24 =	sshrl.u32 s24, $0x1  }
0x15b: {  	v15 =	vld [tilespmem:s25+$0x2990];
	s24 =	sadd.s32 s26, s24  }
0x15c: {  	v16 =	vld [tilespmem:s25+$0x700];
	s24 =	sand.u32 $0xFC, s24  }
0x15d: {  	v17 =	vld [tilespmem:s25+$0x2A00];
	s26 =	sshrl.u32 s24, $0x2  }
0x15e: {  	v18 =	vld [tilespmem:s25+$0x770];
	s24 =	smul.u32 $0x7, s26  }
0x15f: {  	v19 =	vld [tilespmem:s25+$0x2A70]  }
0x160: {  	v20 =	vld [tilespmem:s25+$0x7E0];
	s24 =	ssub.s32 s23, s24  }
0x161: {  	v21 =	vld [tilespmem:s25+$0x2AE0];
	s31 =	smul.u32 $0x8C0, s26;
	s24 =	sand.u32 $0xFF, s24  }
0x162: {  	v22 =	vld [tilespmem:s25+$0x850];
	s29 =	sshll.u32 s24, $0x4  }
0x163: {  	v23 =	vld [tilespmem:s25+$0x2B50];
	s29 =	sadd.s32 s29, s31  }
0x164: {  	v24 =	vld [tilespmem:s29+$0x0]  }
0x165: {  	v25 =	vld [tilespmem:s29+$0x2300]  }
0x166: {  	v26 =	vld [tilespmem:s29+$0x70]  }
0x167: {  	v27 =	vld [tilespmem:s29+$0x2370]  }
0x168: {  	v28 =	vld [tilespmem:s29+$0xE0]  }
0x169: {  	v29 =	vld [tilespmem:s29+$0x23E0]  }
0x16a: {  	v30 =	vld [tilespmem:s29+$0x150]  }
0x16b: {  	v31 =	vld [tilespmem:s29+$0x2450]  }
0x16c: {  	v43 =	vld [tilespmem:s29+$0x1C0]  }
0x16d: {  	v44 =	vld [tilespmem:s29+$0x24C0];
	v24 =	vsub.f32 v24, v25;
	v42 =	vsub.f32 v26, v27  }
0x16e: {  	v45 =	vld [tilespmem:s29+$0x230]  }
0x16f: {  	v32 =	vld [tilespmem:s29+$0x2530];
	v28 =	vsub.f32 v28, v29;
	v24 =	vmul.f32 v24, v24;
	v25 =	vmul.f32 v42, v42  }
0x170: {  	v48 =	vld [tilespmem:s29+$0x2A0]  }
0x171: {  	v49 =	vld [tilespmem:s29+$0x25A0];
	v47 =	vsub.f32 v30, v31;
	v46 =	vmul.f32 v28, v28;
	v24 =	vadd.f32 v25, v24  }
0x172: {  	v51 =	vld [tilespmem:s29+$0x310]  }
0x173: {  	v52 =	vld [tilespmem:s29+$0x2610];
	v26 =	vsub.f32 v43, v44;
	v50 =	vmul.f32 v47, v47;
	v24 =	vadd.f32 v46, v24  }
0x174: {  	v55 =	vld [tilespmem:s29+$0x380]  }
0x175: {  	v56 =	vld [tilespmem:s29+$0x2680];
	v54 =	vsub.f32 v45, v32;
	v53 =	vmul.f32 v26, v26;
	v24 =	vadd.f32 v50, v24  }
0x176: {  	v59 =	vld [tilespmem:s29+$0x3F0]  }
0x177: {  	v60 =	vld [tilespmem:s29+$0x26F0];
	v58 =	vsub.f32 v48, v49;
	v57 =	vmul.f32 v54, v54;
	v24 =	vadd.f32 v53, v24  }
0x178: {  	v63 =	vld [tilespmem:s29+$0x460]  }
0x179: {  	v36 =	vld [tilespmem:s29+$0x2760];
	v62 =	vsub.f32 v51, v52;
	v61 =	vmul.f32 v58, v58;
	v24 =	vadd.f32 v57, v24  }
0x17a: {  	v39 =	vld [tilespmem:s29+$0x4D0]  }
0x17b: {  	v40 =	vld [tilespmem:s29+$0x27D0];
	v38 =	vsub.f32 v55, v56;
	v37 =	vmul.f32 v62, v62;
	v24 =	vadd.f32 v61, v24  }
0x17c: {  	v43 =	vld [tilespmem:s29+$0x540]  }
0x17d: {  	v44 =	vld [tilespmem:s29+$0x2840];
	v41 =	vmul.f32 v38, v38;
	v42 =	vsub.f32 v59, v60;
	v24 =	vadd.f32 v37, v24  }
0x17e: {  	v11 =	vadd.f32 v12, v11;
	v49 =	vld [tilespmem:s29+$0x28B0]  }
0x17f: {  	v47 =	vld [tilespmem:s29+$0x5B0];
	v45 =	vmul.f32 v42, v42;
	v46 =	vsub.f32 v63, v36;
	v24 =	vadd.f32 v41, v24  }
0x180: {  	v5 =	vsub.f32 v5, v8;
	v6 =	vsub.f32 v6, v9;
	v48 =	vmul.f32 v13, v13;
	v54 =	vld [tilespmem:s29+$0x2920]  }
0x181: {  	v52 =	vsub.f32 v39, v40;
	v51 =	vmul.f32 v46, v46;
	v53 =	vld [tilespmem:s29+$0x620];
	v50 =	vadd.f32 v45, v24  }
0x182: {  	v5 =	vmul.f32 v5, v5;
	v7 =	vsub.f32 v7, v10;
	v11 =	vadd.f32 v48, v11;
	v58 =	vld [tilespmem:s29+$0x690]  }
0x183: {  	v56 =	vmul.f32 v52, v52;
	v59 =	vld [tilespmem:s29+$0x2990];
	v57 =	vsub.f32 v43, v44;
	v55 =	vadd.f32 v51, v50  }
0x184: {  	v6 =	vmul.f32 v6, v6;
	v27 =	vld [tilespmem:s29+$0x2A00];
	v30 =	vsub.f32 v16, v17;
	v5 =	vadd.f32 v5, v11  }
0x185: {  	v62 =	vld [tilespmem:s29+$0x700];
	v8 =	vsub.f32 v47, v49;
	v61 =	vmul.f32 v57, v57;
	v60 =	vadd.f32 v56, v55  }
0x186: {  	v31 =	vld [tilespmem:s29+$0x2A70];
	v5 =	vadd.f32 v6, v5;
	v63 =	vmul.f32 v7, v7;
	v9 =	vsub.f32 v53, v54  }
0x187: {  	v28 =	vld [tilespmem:s29+$0x770];
	v8 =	vmul.f32 v8, v8;
	v24 =	vsub.f32 v14, v15;
	v11 =	vadd.f32 v61, v60  }
0x188: {  	v35 =	vld [tilespmem:s29+$0x2AE0];
	v10 =	vsub.f32 v58, v59;
	v5 =	vadd.f32 v63, v5  }
0x189: {  	s22 =	smul.u32 $0x380, s22;
	v32 =	vld [tilespmem:s29+$0x7E0];
	v9 =	vmul.f32 v9, v9;
	v29 =	vmul.f32 v24, v24;
	v8 =	vadd.f32 v8, v11  }
0x18a: {  	s30 =	sshll.u32 s21, $0x5;
	p3 =	sgt.u32 s21, $0x3;
	v34 =	vsub.f32 v18, v19;
	v33 =	vmul.f32 v30, v30;
	v38 =	vld [tilespmem:s29+$0x850];
	v37 =	vsub.f32 v62, v27  }
0x18b: {  	p1 =	slt.u32 s20, $0x7;
	p4 =	sgt.u32 s20, $0x14;
	s22 =	sshrl.u32 s22, $0x2;
	v36 =	vmul.f32 v10, v10;
	v41 =	vld [tilespmem:s29+$0x2B50];
	v5 =	vadd.f32 v29, v5;
	v8 =	vadd.f32 v9, v8  }
0x18c: {  	p2 =	por !p3, !p3;
	s22 =	sadd.s32 s30, s22;
	s31 =	smul.u32 $0x380, s26;
	v39 =	vmul.f32 v34, v34;
	v40 =	vsub.f32 v20, v21;
	v42 =	vsub.f32 v28, v31  }
0x18d: {  	p1 =	por @!p0 p4, p4;
	p2 =	por @!p0 p3, p3;
	v43 =	vld [tilespmem:s22+$0x4980];
	v10 =	vmul.f32 v37, v37;
	v5 =	vadd.f32 v33, v5;
	v8 =	vadd.f32 v36, v8  }
0x18e: {  	s25 =	sshll.u32 s24, $0x5;
	s21 =	sshrl.u32 s31, $0x2;
	v7 =	vmul.f32 v40, v40;
	v44 =	vsub.f32 v22, v23;
	s22 =	simm.f32 $0.0e+00;
	v45 =	vsub.f32 v32, v35  }
0x18f: {  	s20 =	sadd.s32 s25, s21;
	s22 =	simm.s32 @!p2 $0x3F800000;
	p2 =	sgt.u32 s24, $0x3;
	v5 =	vadd.f32 v39, v5;
	v9 =	vmul.f32 v42, v42;
	v8 =	vadd.f32 v10, v8  }
0x190: {  	p4 =	sgt.u32 s23, $0x14;
	v46 =	vld [tilespmem:s20+$0x4980];
	v6 =	vmul.f32 v44, v44;
	s22 =	simm.s32 @!p1 $0x3F800000;
	p1 =	por !p2, !p2;
	v48 =	vsub.f32 v38, v41  }
0x191: {  	p3 =	slt.u32 s23, $0x7;
	s20 =	simm.f32 $0.0e+00;
	p1 =	por @!p0 p2, p2;
	v47 =	vmul.f32 v45, v45;
	v5 =	vadd.f32 v7, v5;
	v8 =	vadd.f32 v9, v8  }
0x192: {  	p3 =	por @!p0 p4, p4;
	v49 =	vmov s22;
	s20 =	simm.s32 @!p1 $0x3F800000;
	vm5 =	vgt.f32 v43, $0.0e+00  }
0x193: {  	s20 =	simm.s32 @!p3 $0x3F800000;
	v51 =	vmul.f32 v48, v48;
	v5 =	vadd.f32 v6, v5;
	v8 =	vadd.f32 v47, v8  }
0x194: {  	v52 =	vmov s20;
	v50 =	vnsel vm5, $0x0, v49  }
0x195: {  	vm5 =	vgt.f32 v46, $0.0e+00;
	v5 =	vmul.f32 v5, v50;
	v53 =	vadd.f32 v51, v8  }
0x196: {  	v6 =	vnsel vm5, $0x0, v52  }
0x197: {  	v4 =	vadd.f32 v5, v4;
	v54 =	vmul.f32 v53, v6;
	_ =	sdelay $0x1  }
0x198: {  	v4 =	vadd.f32 v54, v4  }
0x199: {  	(xrf2) =	vadd.scan.msk.f32 $0xffff, v0  }
0x19a: {  	(xrf2) =	vadd.scan.msk.f32 $0xffff, v4;
	_ =	sdelay $0x1  }
0x19b: {  	(xrf2) =	vadd.scan.msk.f32 $0xffff, v1;
	_ =	sdelay $0x1  }
0x19c: {  	(xrf2) =	vadd.scan.msk.f32 $0xffff, v3;
	_ =	sdelay $0x1  }
0x19d: {  	(xrf2) =	vadd.scan.msk.f32 $0xffff, v2;
	_ =	sdelay $0x2  }
0x19e: {  	v0, _, _ =	vpop (xrf2)  }
0x19f: {  	(v2sf) =	vpush v0, $0xF;
	v55, _, _ =	vpop (xrf2)  }
0x1a0: {  	(v2sf) =	vpush v55, $0xF  }
0x1a1: {  	v56, _, _ =	vpop (xrf2)  }
0x1a2: {  	(v2sf) =	vpush v56, $0xF  }
0x1a3: {  	v57, _, _ =	vpop (xrf2)  }
0x1a4: {  	(v2sf) =	vpush v57, $0xF  }
0x1a5: {  	v58, _, _ =	vpop (xrf2)  }
0x1a6: {  	(v2sf) =	vpush v58, $0xF;
	_ =	sdelay $0x7  }
0x1a7: {  	s26 =	spop (v2sf)  }
0x1a8: {  	s20 =	smul.f32 $1.953125000e-02, s26;
	s28 =	spop (v2sf)  }
0x1a9: {  	s21 =	smul.f32 $3.906250000e-03, s28  }
0x1aa: {  	s29 =	spop (v2sf)  }
0x1ab: {  	v59 =	vmov s20;
	s22 =	smul.f32 $3.906250000e-03, s29;
	v60 =	vmov s21  }
0x1ac: {  	v0 =	vnsel vm0, $0x0, v59;
	s30 =	spop (v2sf);
	v1 =	vnsel vm1, $0x0, v60  }
0x1ad: {  	s20 =	smul.f32 $1.953125000e-03, s30;
	v61 =	vmov s22;
	v0 =	vadd.f32 v1, v0  }
0x1ae: {  	s31 =	spop (v2sf);
	v1 =	vnsel vm2, $0x0, v61  }
0x1af: {  	s21 =	smul.f32 $3.906250000e-03, s31;
	v62 =	vmov s20;
	v0 =	vadd.f32 v0, v1  }
0x1b0: {  	v1 =	vnsel vm3, $0x0, v62  }
0x1b1: {  	v63 =	vmov s21;
	v0 =	vadd.f32 v0, v1  }
0x1b2: {  	v1 =	vnsel vm4, $0x0, v63  }
0x1b3: {  	s19 =	sadd.s32 $0x1, s19;
	v0 =	vadd.f32 v0, v1  }
0x1b4: {  	p1 =	sne.s32 s19, s10  }
.Ltmp6:
0x1b5: {  	[tilespmem:$0x6900] =	vst v0;
	(pc) =	sbr.rel @p1 .LBB2_1-.Ltmp6, $4  }
0x1b6: {  	[hbm4b:s9+s2] =	stream.linear.scatter [tilespmem:s17], [sflag:$0x3], $0x10, $0x38;
	[tilespmem:$0x6910] =	vst v63  }
0x1b7: {  	_ =	swait.ge [sflag:s18], $0x10  }
0x1b8: {  	[sflag:s18] =	ssyncset.done $0x0  }
0x1b9: {  	[sflag:s18] =	ssyncadd.s32 $0xFFFFFFF0  }
0x1ba: {  	_ =	sfence.sel $0x180000  }
0x1bb: {  	[bflag:$0x0] =	sbarrier.arrive $0xFFFF  }
0x1bc: {  	p0 =	sne.s32 s1, $0x0;
	_ =	strace $0x90000047  }
0x1bd: {  	s0 =	sadd.s32 @!p0 $0x100000, s0;
	[bflag:$0x2] =	sbarrier.arrive $0xFFFF  }
0x1be: {  	[sflag:s0] =	ssyncadd.tile.s32 @!p0 $0x1;
	_ =	shalt  }
.Lfunc_end2:
_tile_overlayer_lowered:
.L_overlay_start_2:
0x1bf: {  	(tag) =	ssettag $0x2  }
0x1c0: {  	s0 =	rddreg [dreg:$0x0];
	s2 =	stileid.u32  }
0x1c1: {  	s1 =	rddreg [dreg:$0x1];
	p0 =	sne.s32 s2, $0x0  }
0x1c2: {  	s3 =	rddreg [dreg:$0x2];
	[bflag:$0x3] =	sbarrier.arrive $0xFFFF;
	s2 =	simm.s32 @!p0 $0x1C03  }
0x1c3: {  	[timem:s3], [sflag:s2] =	dma.local @!p0 [hbm:s0], s1  }
0x1c4: {  	s0 =	simm.s32 @!p0 $0x3  }
0x1c5: {  	_ =	swait.ge @!p0 [sflag:s0], s1  }
0x1c6: {  	s1 =	ssub.s32 @!p0 $0x0, s1;
	[sflag:s0] =	ssyncset.done @!p0 $0x0  }
0x1c7: {  	[sflag:s0] =	ssyncadd.s32 @!p0 s1  }
0x1c8: {  	[bflag:$0x3] =	sbarrier.arrive $0xFFFF  }
0x1c9: {  	_ =	shalt  }

</sc_bundles>
